<compile_context>
chip_gen: v7x
topology: tpu7x:2x2x1
jax: 0.10.2.dev20260603
libtpu: 0.0.44.dev20260713+nightly
codegen_flags: <defaults>
</compile_context>

<pallas_src>
import functools

import jax
import jax.numpy as jnp
from jax import lax
from jax.experimental import pallas as pl
from jax.experimental.pallas import tpu as pltpu
from jax.experimental.pallas import tpu_sc as plsc

N_FIELDS = 26
VOCAB = 100000
EMB = 16
OHE = 100
HID = 128
BATCH = 16384
EMB_FEAT = N_FIELDS * EMB
NPLANE = 4

NC, NS = 2, 16
NW = NC * NS
BATCH_PER_W = BATCH // NW
SUPER = 64
NSUPER = BATCH_PER_W // SUPER


def _sc_gather_body(idx_hbm, tab_hbm, out_hbm, idx_v, stage1, stage2, sem):
    wid = lax.axis_index("s") * NC + lax.axis_index("c")
    wb0 = wid * BATCH_PER_W
    pltpu.sync_copy(idx_hbm.at[:, pl.ds(wb0, BATCH_PER_W)], idx_v)

    zeros = jnp.zeros((EMB,), jnp.float32)

    def superchunk(s, _):
        b0 = s * SUPER

        def g_copy(f):
            return pltpu.make_async_copy(
                tab_hbm.at[f].at[idx_v.at[f, pl.ds(b0, SUPER)]],
                stage1.at[f], sem)

        def fire(f, _):
            g_copy(f).start()
            return _

        lax.fori_loop(0, N_FIELDS, fire, None)

        def drain(f, _):
            g_copy(f).wait()
            return _

        lax.fori_loop(0, N_FIELDS, drain, None)

        def repack(bl, _):
            for p in range(NPLANE):
                for e in range(8):
                    f = 8 * p + e
                    if f < N_FIELDS:
                        stage2[p, bl, pl.ds(EMB * e, EMB)] = stage1[f, bl, :]
                    else:
                        stage2[p, bl, pl.ds(EMB * e, EMB)] = zeros
            return _

        lax.fori_loop(0, SUPER, repack, None)

        for p in range(NPLANE):
            pltpu.sync_copy(stage2.at[p],
                            out_hbm.at[p, pl.ds(wb0 + b0, SUPER)])
        return _

    lax.fori_loop(0, NSUPER, superchunk, None)


_sc_gather = pl.kernel(
    _sc_gather_body,
    out_type=jax.ShapeDtypeStruct((NPLANE, BATCH, HID), jnp.float32),
    mesh=plsc.VectorSubcoreMesh(core_axis_name="c", subcore_axis_name="s"),
    compiler_params=pltpu.CompilerParams(use_tc_tiling_on_sc=False),
    scratch_types=[
        pltpu.VMEM((N_FIELDS, BATCH_PER_W), jnp.int32),
        pltpu.VMEM((N_FIELDS, SUPER, EMB), jnp.float32),
        pltpu.VMEM((NPLANE, SUPER, HID), jnp.float32),
        pltpu.SemaphoreType.DMA,
    ],
)


def _mm_body(g_ref, o_ref, w1_ref, w2_ref, b_ref, out_ref):
    acc = jnp.dot(o_ref[...], w2_ref[...], preferred_element_type=jnp.float32)
    for p in range(NPLANE):
        acc += jnp.dot(g_ref[p], w1_ref[p],
                       preferred_element_type=jnp.float32)
    out_ref[...] = acc + b_ref[...]


def _dense(planes, ohes, w1, w2, b2):
    bm = 1024
    return pl.pallas_call(
        _mm_body,
        grid=(BATCH // bm,),
        in_specs=[
            pl.BlockSpec((NPLANE, bm, HID), lambda m: (0, m, 0)),
            pl.BlockSpec((bm, OHE), lambda m: (m, 0)),
            pl.BlockSpec((NPLANE, HID, HID), lambda m: (0, 0, 0)),
            pl.BlockSpec((OHE, HID), lambda m: (0, 0)),
            pl.BlockSpec((1, HID), lambda m: (0, 0)),
        ],
        out_specs=pl.BlockSpec((bm, HID), lambda m: (m, 0)),
        out_shape=jax.ShapeDtypeStruct((BATCH, HID), jnp.float32),
    )(planes, ohes, w1, w2, b2)


def kernel(embed_idx, ohes, tables, W, b):
    idx_t = embed_idx.astype(jnp.int32).T
    planes = _sc_gather(idx_t, tables)
    w1 = jnp.pad(W[:EMB_FEAT], ((0, NPLANE * HID - EMB_FEAT), (0, 0)))
    w1 = w1.reshape(NPLANE, HID, HID)
    return _dense(planes, ohes, w1, W[EMB_FEAT:], b.reshape(1, HID))

# --- scband reference (transcript-rebuilt; emitter-appended) ---
"""Pipeline reference for scband-categorical-encoder-16346645529100 (READ-ONLY COPY).

The authoritative reference and input builder live on the scoring server;
editing this copy changes nothing except your own understanding.
"""

import jax, jax.numpy as jnp
import numpy as np

N_FIELDS = 26
VOCAB = 100000
EMB = 16
OHE = 100
HID = 128
BATCH = 16384
IN_FEAT = N_FIELDS * EMB + OHE


def setup_inputs(seed: int = 0) -> dict:
    key = jax.random.key(seed)
    k1, k2, k3, k4, k5 = jax.random.split(key, 5)
    embed_idx = jax.random.randint(k1, (BATCH, N_FIELDS), 0, VOCAB, dtype=jnp.int64 if jax.config.read('jax_enable_x64') else jnp.int32)
    ohes = jax.random.uniform(k2, (BATCH, OHE), dtype=jnp.float32)
    # stacked embedding tables: one [VOCAB, EMB] table per categorical field
    tables = jax.random.normal(k3, (N_FIELDS, VOCAB, EMB), dtype=jnp.float32) * 0.02
    W = jax.random.normal(k4, (IN_FEAT, HID), dtype=jnp.float32) * (1.0 / np.sqrt(IN_FEAT))
    b = jax.random.normal(k5, (HID,), dtype=jnp.float32) * 0.01
    return {"embed_idx": embed_idx, "ohes": ohes, "tables": tables, "W": W, "b": b}


def reference(embed_idx, ohes, tables, W, b):
    # per-field embedding lookup (gather), matching nn.Embedding per schema entry
    embeds = [tables[i][embed_idx[:, i]] for i in range(N_FIELDS)]
    embeds.append(ohes.astype(jnp.float32))
    h = jnp.concatenate(embeds, axis=1)
    h = h @ W + b
    # dropout is identity in eval mode
    return h

if __name__ == "__main__":
    import jax
    _d = setup_inputs()
    print(jax.jit(kernel)(*tuple(_d.values())))

</pallas_src>

<mosaic_0001>
#map = affine_map<(d0, d1) -> (0, 0)>
#map1 = affine_map<(d0, d1) -> (0, 0, 0)>
module attributes {stable_mosaic.version = 14 : i64} {
  func.func @_sc_gather_body(%arg0: i32, %arg1: i32, %arg2: memref<26x16384xi32, #tpu.memory_space<hbm>>, %arg3: memref<26x100000x16xf32, #tpu.memory_space<hbm>>, %arg4: memref<4x16384x128xf32, #tpu.memory_space<hbm>>, %arg5: memref<26x512xi32, #tpu.memory_space<vmem>>, %arg6: memref<26x64x16xf32, #tpu.memory_space<vmem>>, %arg7: memref<4x64x128xf32, #tpu.memory_space<vmem>>, %arg8: memref<!tpu.dma_semaphore, #tpu.memory_space<semaphore_mem>>) attributes {dimension_semantics = [#tpu.dimension_semantics<core_parallel>, #tpu.dimension_semantics<subcore_parallel>], iteration_bounds = array<i64: 2, 16>, scalar_prefetch = 0 : i64, scratch_operands = 4 : i64, tpu.core_type = #tpu.core_type<sc_vector_subcore>, window_params = [{transform_indices = #map}, {transform_indices = #map1}, {transform_indices = #map1}]} {
    %mul3A = arith.constant 2 : i32
    %mul3A_0 = arith.muli %arg1, %mul3A : i32
    %add3A = arith.addi %mul3A_0, %arg0 : i32
    %mul3A_1 = arith.constant 512 : i32
    %mul3A_2 = arith.muli %add3A, %mul3A_1 : i32
    "tpu.region"() ({
      %run_scoped3A = tpu.sem_alloc : memref<!tpu.dma_semaphore, #tpu.memory_space<semaphore_mem>>
      %dma_start3A = arith.constant 0 : i32
      %dma_start3A_8 = tpu.memref_slice %arg2[%dma_start3A, %mul3A_2] : memref<26x16384xi32, #tpu.memory_space<hbm>> -> memref<26x512xi32, #tpu.memory_space<hbm>>
      %dma_start3A_9 = arith.constant 0 : i32
      %dma_start3A_10 = tpu.memref_slice %arg2[%dma_start3A_9, %mul3A_2] : memref<26x16384xi32, #tpu.memory_space<hbm>> -> memref<26x512xi32, #tpu.memory_space<hbm>>
      tpu.enqueue_dma source(%dma_start3A_10 : memref<26x512xi32, #tpu.memory_space<hbm>>) target(%arg5 : memref<26x512xi32, #tpu.memory_space<vmem>>) target_semaphore(%run_scoped3A : memref<!tpu.dma_semaphore, #tpu.memory_space<semaphore_mem>>)
      %dma_wait3A = arith.constant 0 : i32
      %dma_wait3A_11 = tpu.memref_slice %arg2[%dma_wait3A, %mul3A_2] : memref<26x16384xi32, #tpu.memory_space<hbm>> -> memref<26x512xi32, #tpu.memory_space<hbm>>
      %dma_wait3A_12 = arith.constant 0 : i32
      %dma_wait3A_13 = tpu.memref_slice %arg2[%dma_wait3A_12, %mul3A_2] : memref<26x16384xi32, #tpu.memory_space<hbm>> -> memref<26x512xi32, #tpu.memory_space<hbm>>
      tpu.wait_dma2 semaphore(%run_scoped3A : memref<!tpu.dma_semaphore, #tpu.memory_space<semaphore_mem>>) src(%dma_wait3A_13 : memref<26x512xi32, #tpu.memory_space<hbm>>) dst(%arg5 : memref<26x512xi32, #tpu.memory_space<vmem>>)
      tpu.yield
    }) : () -> ()
    %broadcast_in_dim3A = arith.constant 0.000000e+00 : f32
    %broadcast_in_dim3A_3 = vector.broadcast %broadcast_in_dim3A : f32 to vector<16xf32>
    %scan3A = arith.constant 0 : i32
    %scan3A_4 = arith.constant 8 : i32
    %scan3A_5 = arith.addi %scan3A, %scan3A_4 : i32
    %scan3A_6 = arith.constant 1 : i32
    scf.for %scan3A_8 = %scan3A to %scan3A_5 step %scan3A_6  : i32 {
      %mul3A_9 = arith.constant 64 : i32
      %mul3A_10 = arith.muli %scan3A_8, %mul3A_9 : i32
      %scan3A_11 = arith.constant 0 : i32
      %scan3A_12 = arith.constant 26 : i32
      %scan3A_13 = arith.addi %scan3A_11, %scan3A_12 : i32
      %scan3A_14 = arith.constant 1 : i32
      scf.for %scan3A_37 = %scan3A_11 to %scan3A_13 step %scan3A_14  : i32 {
        %dma_start3A = arith.constant 0 : i32
        %dma_start3A_38 = arith.constant 0 : i32
        %dma_start3A_39 = tpu.memref_slice %arg6[%scan3A_37, %dma_start3A, %dma_start3A_38] : memref<26x64x16xf32, #tpu.memory_space<vmem>> -> memref<1x64x16xf32, #tpu.memory_space<vmem>>
        %dma_start3A_40 = tpu.memref_squeeze %dma_start3A_39 : memref<1x64x16xf32, #tpu.memory_space<vmem>> -> memref<64x16xf32, #tpu.memory_space<vmem>>
        %dma_start3A_41 = tpu.memref_slice %arg5[%scan3A_37, %mul3A_10] : memref<26x512xi32, #tpu.memory_space<vmem>> -> memref<1x64xi32, #tpu.memory_space<vmem>>
        %dma_start3A_42 = tpu.memref_squeeze %dma_start3A_41 : memref<1x64xi32, #tpu.memory_space<vmem>> -> memref<64xi32, #tpu.memory_space<vmem>>
        %dma_start3A_43 = arith.constant 0 : i32
        %dma_start3A_44 = arith.constant 0 : i32
        %dma_start3A_45 = tpu.memref_slice %arg3[%scan3A_37, %dma_start3A_43, %dma_start3A_44] : memref<26x100000x16xf32, #tpu.memory_space<hbm>> -> memref<1x100000x16xf32, #tpu.memory_space<hbm>>
        %dma_start3A_46 = tpu.memref_squeeze %dma_start3A_45 : memref<1x100000x16xf32, #tpu.memory_space<hbm>> -> memref<100000x16xf32, #tpu.memory_space<hbm>>
        %dma_start3A_47 = arith.constant 0 : i32
        %dma_start3A_48 = arith.constant 0 : i32
        %dma_start3A_49 = tpu.memref_slice %dma_start3A_46[%dma_start3A_47, %dma_start3A_48] : memref<100000x16xf32, #tpu.memory_space<hbm>> -> memref<100000x16xf32, #tpu.memory_space<hbm>>
        tpu.enqueue_indirect_dma source(%dma_start3A_49 : memref<100000x16xf32, #tpu.memory_space<hbm>>) target(%dma_start3A_40 : memref<64x16xf32, #tpu.memory_space<vmem>>) offsets(%dma_start3A_42 : memref<64xi32, #tpu.memory_space<vmem>>) semaphore(%arg8 : memref<!tpu.dma_semaphore, #tpu.memory_space<semaphore_mem>>)
      }
      %scan3A_15 = arith.constant 26 : i32
      %scan3A_16 = arith.constant 0 : i32
      %scan3A_17 = arith.constant 26 : i32
      %scan3A_18 = arith.addi %scan3A_16, %scan3A_17 : i32
      %scan3A_19 = arith.constant 1 : i32
      scf.for %scan3A_37 = %scan3A_16 to %scan3A_18 step %scan3A_19  : i32 {
        %dma_wait3A = arith.constant 0 : i32
        %dma_wait3A_38 = arith.constant 0 : i32
        %dma_wait3A_39 = tpu.memref_slice %arg6[%scan3A_37, %dma_wait3A, %dma_wait3A_38] : memref<26x64x16xf32, #tpu.memory_space<vmem>> -> memref<1x64x16xf32, #tpu.memory_space<vmem>>
        %dma_wait3A_40 = tpu.memref_squeeze %dma_wait3A_39 : memref<1x64x16xf32, #tpu.memory_space<vmem>> -> memref<64x16xf32, #tpu.memory_space<vmem>>
        %dma_wait3A_41 = tpu.memref_slice %arg5[%scan3A_37, %mul3A_10] : memref<26x512xi32, #tpu.memory_space<vmem>> -> memref<1x64xi32, #tpu.memory_space<vmem>>
        %dma_wait3A_42 = tpu.memref_squeeze %dma_wait3A_41 : memref<1x64xi32, #tpu.memory_space<vmem>> -> memref<64xi32, #tpu.memory_space<vmem>>
        %dma_wait3A_43 = arith.constant 0 : i32
        %dma_wait3A_44 = arith.constant 0 : i32
        %dma_wait3A_45 = tpu.memref_slice %arg3[%scan3A_37, %dma_wait3A_43, %dma_wait3A_44] : memref<26x100000x16xf32, #tpu.memory_space<hbm>> -> memref<1x100000x16xf32, #tpu.memory_space<hbm>>
        %dma_wait3A_46 = tpu.memref_squeeze %dma_wait3A_45 : memref<1x100000x16xf32, #tpu.memory_space<hbm>> -> memref<100000x16xf32, #tpu.memory_space<hbm>>
        %dma_wait3A_47 = arith.constant 0 : i32
        %dma_wait3A_48 = arith.constant 0 : i32
        %dma_wait3A_49 = tpu.memref_slice %dma_wait3A_46[%dma_wait3A_47, %dma_wait3A_48] : memref<100000x16xf32, #tpu.memory_space<hbm>> -> memref<100000x16xf32, #tpu.memory_space<hbm>>
        tpu.wait_indirect_dma semaphore(%arg8 : memref<!tpu.dma_semaphore, #tpu.memory_space<semaphore_mem>>) src(%dma_wait3A_49 : memref<100000x16xf32, #tpu.memory_space<hbm>>) dst(%dma_wait3A_40 : memref<64x16xf32, #tpu.memory_space<vmem>>)
      }
      %scan3A_20 = arith.constant 26 : i32
      %scan3A_21 = arith.constant 0 : i32
      %scan3A_22 = arith.constant 64 : i32
      %scan3A_23 = arith.addi %scan3A_21, %scan3A_22 : i32
      %scan3A_24 = arith.constant 1 : i32
      scf.for %scan3A_37 = %scan3A_21 to %scan3A_23 step %scan3A_24  : i32 {
        %get3A = arith.constant 0 : i32
        %get3A_38 = arith.index_cast %get3A : i32 to index
        %get3A_39 = arith.index_cast %scan3A_37 : i32 to index
        %get3A_40 = arith.constant 0 : index
        %get3A_41 = tpu.vector_load %arg6[%get3A_38, %get3A_39, %get3A_40] {strides = array<i32>} : memref<26x64x16xf32, #tpu.memory_space<vmem>>, vector<1x1x16xf32>,
        %get3A_42 = vector.shape_cast %get3A_41 : vector<1x1x16xf32> to vector<16xf32>
        %swap3A = arith.constant 0 : i32
        %swap3A_43 = arith.index_cast %swap3A : i32 to index
        %swap3A_44 = arith.index_cast %scan3A_37 : i32 to index
        %swap3A_45 = arith.constant 0 : index
        %swap3A_46 = tpu.vector_load %arg7[%swap3A_43, %swap3A_44, %swap3A_45] {strides = array<i32>} : memref<4x64x128xf32, #tpu.memory_space<vmem>>, vector<1x1x16xf32>,
        %swap3A_47 = vector.shape_cast %swap3A_46 : vector<1x1x16xf32> to vector<16xf32>
        %swap3A_48 = vector.shape_cast %get3A_42 : vector<16xf32> to vector<1x1x16xf32>
        tpu.vector_store %arg7[%swap3A_43, %swap3A_44, %swap3A_45], %swap3A_48 {strides = array<i32>} : memref<4x64x128xf32, #tpu.memory_space<vmem>>, vector<1x1x16xf32>,
        %get3A_49 = arith.constant 1 : i32
        %get3A_50 = arith.index_cast %get3A_49 : i32 to index
        %get3A_51 = arith.index_cast %scan3A_37 : i32 to index
        %get3A_52 = arith.constant 0 : index
        %get3A_53 = tpu.vector_load %arg6[%get3A_50, %get3A_51, %get3A_52] {strides = array<i32>} : memref<26x64x16xf32, #tpu.memory_space<vmem>>, vector<1x1x16xf32>,
        %get3A_54 = vector.shape_cast %get3A_53 : vector<1x1x16xf32> to vector<16xf32>
        %swap3A_55 = arith.constant 0 : i32
        %swap3A_56 = arith.index_cast %swap3A_55 : i32 to index
        %swap3A_57 = arith.index_cast %scan3A_37 : i32 to index
        %swap3A_58 = arith.constant 16 : index
        %swap3A_59 = tpu.vector_load %arg7[%swap3A_56, %swap3A_57, %swap3A_58] {strides = array<i32>} : memref<4x64x128xf32, #tpu.memory_space<vmem>>, vector<1x1x16xf32>,
        %swap3A_60 = vector.shape_cast %swap3A_59 : vector<1x1x16xf32> to vector<16xf32>
        %swap3A_61 = vector.shape_cast %get3A_54 : vector<16xf32> to vector<1x1x16xf32>
        tpu.vector_store %arg7[%swap3A_56, %swap3A_57, %swap3A_58], %swap3A_61 {strides = array<i32>} : memref<4x64x128xf32, #tpu.memory_space<vmem>>, vector<1x1x16xf32>,
        %get3A_62 = arith.constant 2 : i32
        %get3A_63 = arith.index_cast %get3A_62 : i32 to index
        %get3A_64 = arith.index_cast %scan3A_37 : i32 to index
        %get3A_65 = arith.constant 0 : index
        %get3A_66 = tpu.vector_load %arg6[%get3A_63, %get3A_64, %get3A_65] {strides = array<i32>} : memref<26x64x16xf32, #tpu.memory_space<vmem>>, vector<1x1x16xf32>,
        %get3A_67 = vector.shape_cast %get3A_66 : vector<1x1x16xf32> to vector<16xf32>
        %swap3A_68 = arith.constant 0 : i32
        %swap3A_69 = arith.index_cast %swap3A_68 : i32 to index
        %swap3A_70 = arith.index_cast %scan3A_37 : i32 to index
        %swap3A_71 = arith.constant 32 : index
        %swap3A_72 = tpu.vector_load %arg7[%swap3A_69, %swap3A_70, %swap3A_71] {strides = array<i32>} : memref<4x64x128xf32, #tpu.memory_space<vmem>>, vector<1x1x16xf32>,
        %swap3A_73 = vector.shape_cast %swap3A_72 : vector<1x1x16xf32> to vector<16xf32>
        %swap3A_74 = vector.shape_cast %get3A_67 : vector<16xf32> to vector<1x1x16xf32>
        tpu.vector_store %arg7[%swap3A_69, %swap3A_70, %swap3A_71], %swap3A_74 {strides = array<i32>} : memref<4x64x128xf32, #tpu.memory_space<vmem>>, vector<1x1x16xf32>,
        %get3A_75 = arith.constant 3 : i32
        %get3A_76 = arith.index_cast %get3A_75 : i32 to index
        %get3A_77 = arith.index_cast %scan3A_37 : i32 to index
        %get3A_78 = arith.constant 0 : index
        %get3A_79 = tpu.vector_load %arg6[%get3A_76, %get3A_77, %get3A_78] {strides = array<i32>} : memref<26x64x16xf32, #tpu.memory_space<vmem>>, vector<1x1x16xf32>,
        %get3A_80 = vector.shape_cast %get3A_79 : vector<1x1x16xf32> to vector<16xf32>
        %swap3A_81 = arith.constant 0 : i32
        %swap3A_82 = arith.index_cast %swap3A_81 : i32 to index
        %swap3A_83 = arith.index_cast %scan3A_37 : i32 to index
        %swap3A_84 = arith.constant 48 : index
        %swap3A_85 = tpu.vector_load %arg7[%swap3A_82, %swap3A_83, %swap3A_84] {strides = array<i32>} : memref<4x64x128xf32, #tpu.memory_space<vmem>>, vector<1x1x16xf32>,
        %swap3A_86 = vector.shape_cast %swap3A_85 : vector<1x1x16xf32> to vector<16xf32>
        %swap3A_87 = vector.shape_cast %get3A_80 : vector<16xf32> to vector<1x1x16xf32>
        tpu.vector_store %arg7[%swap3A_82, %swap3A_83, %swap3A_84], %swap3A_87 {strides = array<i32>} : memref<4x64x128xf32, #tpu.memory_space<vmem>>, vector<1x1x16xf32>,
        %get3A_88 = arith.constant 4 : i32
        %get3A_89 = arith.index_cast %get3A_88 : i32 to index
        %get3A_90 = arith.index_cast %scan3A_37 : i32 to index
        %get3A_91 = arith.constant 0 : index
        %get3A_92 = tpu.vector_load %arg6[%get3A_89, %get3A_90, %get3A_91] {strides = array<i32>} : memref<26x64x16xf32, #tpu.memory_space<vmem>>, vector<1x1x16xf32>,
        %get3A_93 = vector.shape_cast %get3A_92 : vector<1x1x16xf32> to vector<16xf32>
        %swap3A_94 = arith.constant 0 : i32
        %swap3A_95 = arith.index_cast %swap3A_94 : i32 to index
        %swap3A_96 = arith.index_cast %scan3A_37 : i32 to index
        %swap3A_97 = arith.constant 64 : index
        %swap3A_98 = tpu.vector_load %arg7[%swap3A_95, %swap3A_96, %swap3A_97] {strides = array<i32>} : memref<4x64x128xf32, #tpu.memory_space<vmem>>, vector<1x1x16xf32>,
        %swap3A_99 = vector.shape_cast %swap3A_98 : vector<1x1x16xf32> to vector<16xf32>
        %swap3A_100 = vector.shape_cast %get3A_93 : vector<16xf32> to vector<1x1x16xf32>
        tpu.vector_store %arg7[%swap3A_95, %swap3A_96, %swap3A_97], %swap3A_100 {strides = array<i32>} : memref<4x64x128xf32, #tpu.memory_space<vmem>>, vector<1x1x16xf32>,
        %get3A_101 = arith.constant 5 : i32
        %get3A_102 = arith.index_cast %get3A_101 : i32 to index
        %get3A_103 = arith.index_cast %scan3A_37 : i32 to index
        %get3A_104 = arith.constant 0 : index
        %get3A_105 = tpu.vector_load %arg6[%get3A_102, %get3A_103, %get3A_104] {strides = array<i32>} : memref<26x64x16xf32, #tpu.memory_space<vmem>>, vector<1x1x16xf32>,
        %get3A_106 = vector.shape_cast %get3A_105 : vector<1x1x16xf32> to vector<16xf32>
        %swap3A_107 = arith.constant 0 : i32
        %swap3A_108 = arith.index_cast %swap3A_107 : i32 to index
        %swap3A_109 = arith.index_cast %scan3A_37 : i32 to index
        %swap3A_110 = arith.constant 80 : index
        %swap3A_111 = tpu.vector_load %arg7[%swap3A_108, %swap3A_109, %swap3A_110] {strides = array<i32>} : memref<4x64x128xf32, #tpu.memory_space<vmem>>, vector<1x1x16xf32>,
        %swap3A_112 = vector.shape_cast %swap3A_111 : vector<1x1x16xf32> to vector<16xf32>
        %swap3A_113 = vector.shape_cast %get3A_106 : vector<16xf32> to vector<1x1x16xf32>
        tpu.vector_store %arg7[%swap3A_108, %swap3A_109, %swap3A_110], %swap3A_113 {strides = array<i32>} : memref<4x64x128xf32, #tpu.memory_space<vmem>>, vector<1x1x16xf32>,
        %get3A_114 = arith.constant 6 : i32
        %get3A_115 = arith.index_cast %get3A_114 : i32 to index
        %get3A_116 = arith.index_cast %scan3A_37 : i32 to index
        %get3A_117 = arith.constant 0 : index
        %get3A_118 = tpu.vector_load %arg6[%get3A_115, %get3A_116, %get3A_117] {strides = array<i32>} : memref<26x64x16xf32, #tpu.memory_space<vmem>>, vector<1x1x16xf32>,
        %get3A_119 = vector.shape_cast %get3A_118 : vector<1x1x16xf32> to vector<16xf32>
        %swap3A_120 = arith.constant 0 : i32
        %swap3A_121 = arith.index_cast %swap3A_120 : i32 to index
        %swap3A_122 = arith.index_cast %scan3A_37 : i32 to index
        %swap3A_123 = arith.constant 96 : index
        %swap3A_124 = tpu.vector_load %arg7[%swap3A_121, %swap3A_122, %swap3A_123] {strides = array<i32>} : memref<4x64x128xf32, #tpu.memory_space<vmem>>, vector<1x1x16xf32>,
        %swap3A_125 = vector.shape_cast %swap3A_124 : vector<1x1x16xf32> to vector<16xf32>
        %swap3A_126 = vector.shape_cast %get3A_119 : vector<16xf32> to vector<1x1x16xf32>
        tpu.vector_store %arg7[%swap3A_121, %swap3A_122, %swap3A_123], %swap3A_126 {strides = array<i32>} : memref<4x64x128xf32, #tpu.memory_space<vmem>>, vector<1x1x16xf32>,
        %get3A_127 = arith.constant 7 : i32
        %get3A_128 = arith.index_cast %get3A_127 : i32 to index
        %get3A_129 = arith.index_cast %scan3A_37 : i32 to index
        %get3A_130 = arith.constant 0 : index
        %get3A_131 = tpu.vector_load %arg6[%get3A_128, %get3A_129, %get3A_130] {strides = array<i32>} : memref<26x64x16xf32, #tpu.memory_space<vmem>>, vector<1x1x16xf32>,
        %get3A_132 = vector.shape_cast %get3A_131 : vector<1x1x16xf32> to vector<16xf32>
        %swap3A_133 = arith.constant 0 : i32
        %swap3A_134 = arith.index_cast %swap3A_133 : i32 to index
        %swap3A_135 = arith.index_cast %scan3A_37 : i32 to index
        %swap3A_136 = arith.constant 112 : index
        %swap3A_137 = tpu.vector_load %arg7[%swap3A_134, %swap3A_135, %swap3A_136] {strides = array<i32>} : memref<4x64x128xf32, #tpu.memory_space<vmem>>, vector<1x1x16xf32>,
        %swap3A_138 = vector.shape_cast %swap3A_137 : vector<1x1x16xf32> to vector<16xf32>
        %swap3A_139 = vector.shape_cast %get3A_132 : vector<16xf32> to vector<1x1x16xf32>
        tpu.vector_store %arg7[%swap3A_134, %swap3A_135, %swap3A_136], %swap3A_139 {strides = array<i32>} : memref<4x64x128xf32, #tpu.memory_space<vmem>>, vector<1x1x16xf32>,
        %get3A_140 = arith.constant 8 : i32
        %get3A_141 = arith.index_cast %get3A_140 : i32 to index
        %get3A_142 = arith.index_cast %scan3A_37 : i32 to index
        %get3A_143 = arith.constant 0 : index
        %get3A_144 = tpu.vector_load %arg6[%get3A_141, %get3A_142, %get3A_143] {strides = array<i32>} : memref<26x64x16xf32, #tpu.memory_space<vmem>>, vector<1x1x16xf32>,
        %get3A_145 = vector.shape_cast %get3A_144 : vector<1x1x16xf32> to vector<16xf32>
        %swap3A_146 = arith.constant 1 : i32
        %swap3A_147 = arith.index_cast %swap3A_146 : i32 to index
        %swap3A_148 = arith.index_cast %scan3A_37 : i32 to index
        %swap3A_149 = arith.constant 0 : index
        %swap3A_150 = tpu.vector_load %arg7[%swap3A_147, %swap3A_148, %swap3A_149] {strides = array<i32>} : memref<4x64x128xf32, #tpu.memory_space<vmem>>, vector<1x1x16xf32>,
        %swap3A_151 = vector.shape_cast %swap3A_150 : vector<1x1x16xf32> to vector<16xf32>
        %swap3A_152 = vector.shape_cast %get3A_145 : vector<16xf32> to vector<1x1x16xf32>
        tpu.vector_store %arg7[%swap3A_147, %swap3A_148, %swap3A_149], %swap3A_152 {strides = array<i32>} : memref<4x64x128xf32, #tpu.memory_space<vmem>>, vector<1x1x16xf32>,
        %get3A_153 = arith.constant 9 : i32
        %get3A_154 = arith.index_cast %get3A_153 : i32 to index
        %get3A_155 = arith.index_cast %scan3A_37 : i32 to index
        %get3A_156 = arith.constant 0 : index
        %get3A_157 = tpu.vector_load %arg6[%get3A_154, %get3A_155, %get3A_156] {strides = array<i32>} : memref<26x64x16xf32, #tpu.memory_space<vmem>>, vector<1x1x16xf32>,
        %get3A_158 = vector.shape_cast %get3A_157 : vector<1x1x16xf32> to vector<16xf32>
        %swap3A_159 = arith.constant 1 : i32
        %swap3A_160 = arith.index_cast %swap3A_159 : i32 to index
        %swap3A_161 = arith.index_cast %scan3A_37 : i32 to index
        %swap3A_162 = arith.constant 16 : index
        %swap3A_163 = tpu.vector_load %arg7[%swap3A_160, %swap3A_161, %swap3A_162] {strides = array<i32>} : memref<4x64x128xf32, #tpu.memory_space<vmem>>, vector<1x1x16xf32>,
        %swap3A_164 = vector.shape_cast %swap3A_163 : vector<1x1x16xf32> to vector<16xf32>
        %swap3A_165 = vector.shape_cast %get3A_158 : vector<16xf32> to vector<1x1x16xf32>
        tpu.vector_store %arg7[%swap3A_160, %swap3A_161, %swap3A_162], %swap3A_165 {strides = array<i32>} : memref<4x64x128xf32, #tpu.memory_space<vmem>>, vector<1x1x16xf32>,
        %get3A_166 = arith.constant 10 : i32
        %get3A_167 = arith.index_cast %get3A_166 : i32 to index
        %get3A_168 = arith.index_cast %scan3A_37 : i32 to index
        %get3A_169 = arith.constant 0 : index
        %get3A_170 = tpu.vector_load %arg6[%get3A_167, %get3A_168, %get3A_169] {strides = array<i32>} : memref<26x64x16xf32, #tpu.memory_space<vmem>>, vector<1x1x16xf32>,
        %get3A_171 = vector.shape_cast %get3A_170 : vector<1x1x16xf32> to vector<16xf32>
        %swap3A_172 = arith.constant 1 : i32
        %swap3A_173 = arith.index_cast %swap3A_172 : i32 to index
        %swap3A_174 = arith.index_cast %scan3A_37 : i32 to index
        %swap3A_175 = arith.constant 32 : index
        %swap3A_176 = tpu.vector_load %arg7[%swap3A_173, %swap3A_174, %swap3A_175] {strides = array<i32>} : memref<4x64x128xf32, #tpu.memory_space<vmem>>, vector<1x1x16xf32>,
        %swap3A_177 = vector.shape_cast %swap3A_176 : vector<1x1x16xf32> to vector<16xf32>
        %swap3A_178 = vector.shape_cast %get3A_171 : vector<16xf32> to vector<1x1x16xf32>
        tpu.vector_store %arg7[%swap3A_173, %swap3A_174, %swap3A_175], %swap3A_178 {strides = array<i32>} : memref<4x64x128xf32, #tpu.memory_space<vmem>>, vector<1x1x16xf32>,
        %get3A_179 = arith.constant 11 : i32
        %get3A_180 = arith.index_cast %get3A_179 : i32 to index
        %get3A_181 = arith.index_cast %scan3A_37 : i32 to index
        %get3A_182 = arith.constant 0 : index
        %get3A_183 = tpu.vector_load %arg6[%get3A_180, %get3A_181, %get3A_182] {strides = array<i32>} : memref<26x64x16xf32, #tpu.memory_space<vmem>>, vector<1x1x16xf32>,
        %get3A_184 = vector.shape_cast %get3A_183 : vector<1x1x16xf32> to vector<16xf32>
        %swap3A_185 = arith.constant 1 : i32
        %swap3A_186 = arith.index_cast %swap3A_185 : i32 to index
        %swap3A_187 = arith.index_cast %scan3A_37 : i32 to index
        %swap3A_188 = arith.constant 48 : index
        %swap3A_189 = tpu.vector_load %arg7[%swap3A_186, %swap3A_187, %swap3A_188] {strides = array<i32>} : memref<4x64x128xf32, #tpu.memory_space<vmem>>, vector<1x1x16xf32>,
        %swap3A_190 = vector.shape_cast %swap3A_189 : vector<1x1x16xf32> to vector<16xf32>
        %swap3A_191 = vector.shape_cast %get3A_184 : vector<16xf32> to vector<1x1x16xf32>
        tpu.vector_store %arg7[%swap3A_186, %swap3A_187, %swap3A_188], %swap3A_191 {strides = array<i32>} : memref<4x64x128xf32, #tpu.memory_space<vmem>>, vector<1x1x16xf32>,
        %get3A_192 = arith.constant 12 : i32
        %get3A_193 = arith.index_cast %get3A_192 : i32 to index
        %get3A_194 = arith.index_cast %scan3A_37 : i32 to index
        %get3A_195 = arith.constant 0 : index
        %get3A_196 = tpu.vector_load %arg6[%get3A_193, %get3A_194, %get3A_195] {strides = array<i32>} : memref<26x64x16xf32, #tpu.memory_space<vmem>>, vector<1x1x16xf32>,
        %get3A_197 = vector.shape_cast %get3A_196 : vector<1x1x16xf32> to vector<16xf32>
        %swap3A_198 = arith.constant 1 : i32
        %swap3A_199 = arith.index_cast %swap3A_198 : i32 to index
        %swap3A_200 = arith.index_cast %scan3A_37 : i32 to index
        %swap3A_201 = arith.constant 64 : index
        %swap3A_202 = tpu.vector_load %arg7[%swap3A_199, %swap3A_200, %swap3A_201] {strides = array<i32>} : memref<4x64x128xf32, #tpu.memory_space<vmem>>, vector<1x1x16xf32>,
        %swap3A_203 = vector.shape_cast %swap3A_202 : vector<1x1x16xf32> to vector<16xf32>
        %swap3A_204 = vector.shape_cast %get3A_197 : vector<16xf32> to vector<1x1x16xf32>
        tpu.vector_store %arg7[%swap3A_199, %swap3A_200, %swap3A_201], %swap3A_204 {strides = array<i32>} : memref<4x64x128xf32, #tpu.memory_space<vmem>>, vector<1x1x16xf32>,
        %get3A_205 = arith.constant 13 : i32
        %get3A_206 = arith.index_cast %get3A_205 : i32 to index
        %get3A_207 = arith.index_cast %scan3A_37 : i32 to index
        %get3A_208 = arith.constant 0 : index
        %get3A_209 = tpu.vector_load %arg6[%get3A_206, %get3A_207, %get3A_208] {strides = array<i32>} : memref<26x64x16xf32, #tpu.memory_space<vmem>>, vector<1x1x16xf32>,
        %get3A_210 = vector.shape_cast %get3A_209 : vector<1x1x16xf32> to vector<16xf32>
        %swap3A_211 = arith.constant 1 : i32
        %swap3A_212 = arith.index_cast %swap3A_211 : i32 to index
        %swap3A_213 = arith.index_cast %scan3A_37 : i32 to index
        %swap3A_214 = arith.constant 80 : index
        %swap3A_215 = tpu.vector_load %arg7[%swap3A_212, %swap3A_213, %swap3A_214] {strides = array<i32>} : memref<4x64x128xf32, #tpu.memory_space<vmem>>, vector<1x1x16xf32>,
        %swap3A_216 = vector.shape_cast %swap3A_215 : vector<1x1x16xf32> to vector<16xf32>
        %swap3A_217 = vector.shape_cast %get3A_210 : vector<16xf32> to vector<1x1x16xf32>
        tpu.vector_store %arg7[%swap3A_212, %swap3A_213, %swap3A_214], %swap3A_217 {strides = array<i32>} : memref<4x64x128xf32, #tpu.memory_space<vmem>>, vector<1x1x16xf32>,
        %get3A_218 = arith.constant 14 : i32
        %get3A_219 = arith.index_cast %get3A_218 : i32 to index
        %get3A_220 = arith.index_cast %scan3A_37 : i32 to index
        %get3A_221 = arith.constant 0 : index
        %get3A_222 = tpu.vector_load %arg6[%get3A_219, %get3A_220, %get3A_221] {strides = array<i32>} : memref<26x64x16xf32, #tpu.memory_space<vmem>>, vector<1x1x16xf32>,
        %get3A_223 = vector.shape_cast %get3A_222 : vector<1x1x16xf32> to vector<16xf32>
        %swap3A_224 = arith.constant 1 : i32
        %swap3A_225 = arith.index_cast %swap3A_224 : i32 to index
        %swap3A_226 = arith.index_cast %scan3A_37 : i32 to index
        %swap3A_227 = arith.constant 96 : index
        %swap3A_228 = tpu.vector_load %arg7[%swap3A_225, %swap3A_226, %swap3A_227] {strides = array<i32>} : memref<4x64x128xf32, #tpu.memory_space<vmem>>, vector<1x1x16xf32>,
        %swap3A_229 = vector.shape_cast %swap3A_228 : vector<1x1x16xf32> to vector<16xf32>
        %swap3A_230 = vector.shape_cast %get3A_223 : vector<16xf32> to vector<1x1x16xf32>
        tpu.vector_store %arg7[%swap3A_225, %swap3A_226, %swap3A_227], %swap3A_230 {strides = array<i32>} : memref<4x64x128xf32, #tpu.memory_space<vmem>>, vector<1x1x16xf32>,
        %get3A_231 = arith.constant 15 : i32
        %get3A_232 = arith.index_cast %get3A_231 : i32 to index
        %get3A_233 = arith.index_cast %scan3A_37 : i32 to index
        %get3A_234 = arith.constant 0 : index
        %get3A_235 = tpu.vector_load %arg6[%get3A_232, %get3A_233, %get3A_234] {strides = array<i32>} : memref<26x64x16xf32, #tpu.memory_space<vmem>>, vector<1x1x16xf32>,
        %get3A_236 = vector.shape_cast %get3A_235 : vector<1x1x16xf32> to vector<16xf32>
        %swap3A_237 = arith.constant 1 : i32
        %swap3A_238 = arith.index_cast %swap3A_237 : i32 to index
        %swap3A_239 = arith.index_cast %scan3A_37 : i32 to index
        %swap3A_240 = arith.constant 112 : index
        %swap3A_241 = tpu.vector_load %arg7[%swap3A_238, %swap3A_239, %swap3A_240] {strides = array<i32>} : memref<4x64x128xf32, #tpu.memory_space<vmem>>, vector<1x1x16xf32>,
        %swap3A_242 = vector.shape_cast %swap3A_241 : vector<1x1x16xf32> to vector<16xf32>
        %swap3A_243 = vector.shape_cast %get3A_236 : vector<16xf32> to vector<1x1x16xf32>
        tpu.vector_store %arg7[%swap3A_238, %swap3A_239, %swap3A_240], %swap3A_243 {strides = array<i32>} : memref<4x64x128xf32, #tpu.memory_space<vmem>>, vector<1x1x16xf32>,
        %get3A_244 = arith.constant 16 : i32
        %get3A_245 = arith.index_cast %get3A_244 : i32 to index
        %get3A_246 = arith.index_cast %scan3A_37 : i32 to index
        %get3A_247 = arith.constant 0 : index
        %get3A_248 = tpu.vector_load %arg6[%get3A_245, %get3A_246, %get3A_247] {strides = array<i32>} : memref<26x64x16xf32, #tpu.memory_space<vmem>>, vector<1x1x16xf32>,
        %get3A_249 = vector.shape_cast %get3A_248 : vector<1x1x16xf32> to vector<16xf32>
        %swap3A_250 = arith.constant 2 : i32
        %swap3A_251 = arith.index_cast %swap3A_250 : i32 to index
        %swap3A_252 = arith.index_cast %scan3A_37 : i32 to index
        %swap3A_253 = arith.constant 0 : index
        %swap3A_254 = tpu.vector_load %arg7[%swap3A_251, %swap3A_252, %swap3A_253] {strides = array<i32>} : memref<4x64x128xf32, #tpu.memory_space<vmem>>, vector<1x1x16xf32>,
        %swap3A_255 = vector.shape_cast %swap3A_254 : vector<1x1x16xf32> to vector<16xf32>
        %swap3A_256 = vector.shape_cast %get3A_249 : vector<16xf32> to vector<1x1x16xf32>
        tpu.vector_store %arg7[%swap3A_251, %swap3A_252, %swap3A_253], %swap3A_256 {strides = array<i32>} : memref<4x64x128xf32, #tpu.memory_space<vmem>>, vector<1x1x16xf32>,
        %get3A_257 = arith.constant 17 : i32
        %get3A_258 = arith.index_cast %get3A_257 : i32 to index
        %get3A_259 = arith.index_cast %scan3A_37 : i32 to index
        %get3A_260 = arith.constant 0 : index
        %get3A_261 = tpu.vector_load %arg6[%get3A_258, %get3A_259, %get3A_260] {strides = array<i32>} : memref<26x64x16xf32, #tpu.memory_space<vmem>>, vector<1x1x16xf32>,
        %get3A_262 = vector.shape_cast %get3A_261 : vector<1x1x16xf32> to vector<16xf32>
        %swap3A_263 = arith.constant 2 : i32
        %swap3A_264 = arith.index_cast %swap3A_263 : i32 to index
        %swap3A_265 = arith.index_cast %scan3A_37 : i32 to index
        %swap3A_266 = arith.constant 16 : index
        %swap3A_267 = tpu.vector_load %arg7[%swap3A_264, %swap3A_265, %swap3A_266] {strides = array<i32>} : memref<4x64x128xf32, #tpu.memory_space<vmem>>, vector<1x1x16xf32>,
        %swap3A_268 = vector.shape_cast %swap3A_267 : vector<1x1x16xf32> to vector<16xf32>
        %swap3A_269 = vector.shape_cast %get3A_262 : vector<16xf32> to vector<1x1x16xf32>
        tpu.vector_store %arg7[%swap3A_264, %swap3A_265, %swap3A_266], %swap3A_269 {strides = array<i32>} : memref<4x64x128xf32, #tpu.memory_space<vmem>>, vector<1x1x16xf32>,
        %get3A_270 = arith.constant 18 : i32
        %get3A_271 = arith.index_cast %get3A_270 : i32 to index
        %get3A_272 = arith.index_cast %scan3A_37 : i32 to index
        %get3A_273 = arith.constant 0 : index
        %get3A_274 = tpu.vector_load %arg6[%get3A_271, %get3A_272, %get3A_273] {strides = array<i32>} : memref<26x64x16xf32, #tpu.memory_space<vmem>>, vector<1x1x16xf32>,
        %get3A_275 = vector.shape_cast %get3A_274 : vector<1x1x16xf32> to vector<16xf32>
        %swap3A_276 = arith.constant 2 : i32
        %swap3A_277 = arith.index_cast %swap3A_276 : i32 to index
        %swap3A_278 = arith.index_cast %scan3A_37 : i32 to index
        %swap3A_279 = arith.constant 32 : index
        %swap3A_280 = tpu.vector_load %arg7[%swap3A_277, %swap3A_278, %swap3A_279] {strides = array<i32>} : memref<4x64x128xf32, #tpu.memory_space<vmem>>, vector<1x1x16xf32>,
        %swap3A_281 = vector.shape_cast %swap3A_280 : vector<1x1x16xf32> to vector<16xf32>
        %swap3A_282 = vector.shape_cast %get3A_275 : vector<16xf32> to vector<1x1x16xf32>
        tpu.vector_store %arg7[%swap3A_277, %swap3A_278, %swap3A_279], %swap3A_282 {strides = array<i32>} : memref<4x64x128xf32, #tpu.memory_space<vmem>>, vector<1x1x16xf32>,
        %get3A_283 = arith.constant 19 : i32
        %get3A_284 = arith.index_cast %get3A_283 : i32 to index
        %get3A_285 = arith.index_cast %scan3A_37 : i32 to index
        %get3A_286 = arith.constant 0 : index
        %get3A_287 = tpu.vector_load %arg6[%get3A_284, %get3A_285, %get3A_286] {strides = array<i32>} : memref<26x64x16xf32, #tpu.memory_space<vmem>>, vector<1x1x16xf32>,
        %get3A_288 = vector.shape_cast %get3A_287 : vector<1x1x16xf32> to vector<16xf32>
        %swap3A_289 = arith.constant 2 : i32
        %swap3A_290 = arith.index_cast %swap3A_289 : i32 to index
        %swap3A_291 = arith.index_cast %scan3A_37 : i32 to index
        %swap3A_292 = arith.constant 48 : index
        %swap3A_293 = tpu.vector_load %arg7[%swap3A_290, %swap3A_291, %swap3A_292] {strides = array<i32>} : memref<4x64x128xf32, #tpu.memory_space<vmem>>, vector<1x1x16xf32>,
        %swap3A_294 = vector.shape_cast %swap3A_293 : vector<1x1x16xf32> to vector<16xf32>
        %swap3A_295 = vector.shape_cast %get3A_288 : vector<16xf32> to vector<1x1x16xf32>
        tpu.vector_store %arg7[%swap3A_290, %swap3A_291, %swap3A_292], %swap3A_295 {strides = array<i32>} : memref<4x64x128xf32, #tpu.memory_space<vmem>>, vector<1x1x16xf32>,
        %get3A_296 = arith.constant 20 : i32
        %get3A_297 = arith.index_cast %get3A_296 : i32 to index
        %get3A_298 = arith.index_cast %scan3A_37 : i32 to index
        %get3A_299 = arith.constant 0 : index
        %get3A_300 = tpu.vector_load %arg6[%get3A_297, %get3A_298, %get3A_299] {strides = array<i32>} : memref<26x64x16xf32, #tpu.memory_space<vmem>>, vector<1x1x16xf32>,
        %get3A_301 = vector.shape_cast %get3A_300 : vector<1x1x16xf32> to vector<16xf32>
        %swap3A_302 = arith.constant 2 : i32
        %swap3A_303 = arith.index_cast %swap3A_302 : i32 to index
        %swap3A_304 = arith.index_cast %scan3A_37 : i32 to index
        %swap3A_305 = arith.constant 64 : index
        %swap3A_306 = tpu.vector_load %arg7[%swap3A_303, %swap3A_304, %swap3A_305] {strides = array<i32>} : memref<4x64x128xf32, #tpu.memory_space<vmem>>, vector<1x1x16xf32>,
        %swap3A_307 = vector.shape_cast %swap3A_306 : vector<1x1x16xf32> to vector<16xf32>
        %swap3A_308 = vector.shape_cast %get3A_301 : vector<16xf32> to vector<1x1x16xf32>
        tpu.vector_store %arg7[%swap3A_303, %swap3A_304, %swap3A_305], %swap3A_308 {strides = array<i32>} : memref<4x64x128xf32, #tpu.memory_space<vmem>>, vector<1x1x16xf32>,
        %get3A_309 = arith.constant 21 : i32
        %get3A_310 = arith.index_cast %get3A_309 : i32 to index
        %get3A_311 = arith.index_cast %scan3A_37 : i32 to index
        %get3A_312 = arith.constant 0 : index
        %get3A_313 = tpu.vector_load %arg6[%get3A_310, %get3A_311, %get3A_312] {strides = array<i32>} : memref<26x64x16xf32, #tpu.memory_space<vmem>>, vector<1x1x16xf32>,
        %get3A_314 = vector.shape_cast %get3A_313 : vector<1x1x16xf32> to vector<16xf32>
        %swap3A_315 = arith.constant 2 : i32
        %swap3A_316 = arith.index_cast %swap3A_315 : i32 to index
        %swap3A_317 = arith.index_cast %scan3A_37 : i32 to index
        %swap3A_318 = arith.constant 80 : index
        %swap3A_319 = tpu.vector_load %arg7[%swap3A_316, %swap3A_317, %swap3A_318] {strides = array<i32>} : memref<4x64x128xf32, #tpu.memory_space<vmem>>, vector<1x1x16xf32>,
        %swap3A_320 = vector.shape_cast %swap3A_319 : vector<1x1x16xf32> to vector<16xf32>
        %swap3A_321 = vector.shape_cast %get3A_314 : vector<16xf32> to vector<1x1x16xf32>
        tpu.vector_store %arg7[%swap3A_316, %swap3A_317, %swap3A_318], %swap3A_321 {strides = array<i32>} : memref<4x64x128xf32, #tpu.memory_space<vmem>>, vector<1x1x16xf32>,
        %get3A_322 = arith.constant 22 : i32
        %get3A_323 = arith.index_cast %get3A_322 : i32 to index
        %get3A_324 = arith.index_cast %scan3A_37 : i32 to index
        %get3A_325 = arith.constant 0 : index
        %get3A_326 = tpu.vector_load %arg6[%get3A_323, %get3A_324, %get3A_325] {strides = array<i32>} : memref<26x64x16xf32, #tpu.memory_space<vmem>>, vector<1x1x16xf32>,
        %get3A_327 = vector.shape_cast %get3A_326 : vector<1x1x16xf32> to vector<16xf32>
        %swap3A_328 = arith.constant 2 : i32
        %swap3A_329 = arith.index_cast %swap3A_328 : i32 to index
        %swap3A_330 = arith.index_cast %scan3A_37 : i32 to index
        %swap3A_331 = arith.constant 96 : index
        %swap3A_332 = tpu.vector_load %arg7[%swap3A_329, %swap3A_330, %swap3A_331] {strides = array<i32>} : memref<4x64x128xf32, #tpu.memory_space<vmem>>, vector<1x1x16xf32>,
        %swap3A_333 = vector.shape_cast %swap3A_332 : vector<1x1x16xf32> to vector<16xf32>
        %swap3A_334 = vector.shape_cast %get3A_327 : vector<16xf32> to vector<1x1x16xf32>
        tpu.vector_store %arg7[%swap3A_329, %swap3A_330, %swap3A_331], %swap3A_334 {strides = array<i32>} : memref<4x64x128xf32, #tpu.memory_space<vmem>>, vector<1x1x16xf32>,
        %get3A_335 = arith.constant 23 : i32
        %get3A_336 = arith.index_cast %get3A_335 : i32 to index
        %get3A_337 = arith.index_cast %scan3A_37 : i32 to index
        %get3A_338 = arith.constant 0 : index
        %get3A_339 = tpu.vector_load %arg6[%get3A_336, %get3A_337, %get3A_338] {strides = array<i32>} : memref<26x64x16xf32, #tpu.memory_space<vmem>>, vector<1x1x16xf32>,
        %get3A_340 = vector.shape_cast %get3A_339 : vector<1x1x16xf32> to vector<16xf32>
        %swap3A_341 = arith.constant 2 : i32
        %swap3A_342 = arith.index_cast %swap3A_341 : i32 to index
        %swap3A_343 = arith.index_cast %scan3A_37 : i32 to index
        %swap3A_344 = arith.constant 112 : index
        %swap3A_345 = tpu.vector_load %arg7[%swap3A_342, %swap3A_343, %swap3A_344] {strides = array<i32>} : memref<4x64x128xf32, #tpu.memory_space<vmem>>, vector<1x1x16xf32>,
        %swap3A_346 = vector.shape_cast %swap3A_345 : vector<1x1x16xf32> to vector<16xf32>
        %swap3A_347 = vector.shape_cast %get3A_340 : vector<16xf32> to vector<1x1x16xf32>
        tpu.vector_store %arg7[%swap3A_342, %swap3A_343, %swap3A_344], %swap3A_347 {strides = array<i32>} : memref<4x64x128xf32, #tpu.memory_space<vmem>>, vector<1x1x16xf32>,
        %get3A_348 = arith.constant 24 : i32
        %get3A_349 = arith.index_cast %get3A_348 : i32 to index
        %get3A_350 = arith.index_cast %scan3A_37 : i32 to index
        %get3A_351 = arith.constant 0 : index
        %get3A_352 = tpu.vector_load %arg6[%get3A_349, %get3A_350, %get3A_351] {strides = array<i32>} : memref<26x64x16xf32, #tpu.memory_space<vmem>>, vector<1x1x16xf32>,
        %get3A_353 = vector.shape_cast %get3A_352 : vector<1x1x16xf32> to vector<16xf32>
        %swap3A_354 = arith.constant 3 : i32
        %swap3A_355 = arith.index_cast %swap3A_354 : i32 to index
        %swap3A_356 = arith.index_cast %scan3A_37 : i32 to index
        %swap3A_357 = arith.constant 0 : index
        %swap3A_358 = tpu.vector_load %arg7[%swap3A_355, %swap3A_356, %swap3A_357] {strides = array<i32>} : memref<4x64x128xf32, #tpu.memory_space<vmem>>, vector<1x1x16xf32>,
        %swap3A_359 = vector.shape_cast %swap3A_358 : vector<1x1x16xf32> to vector<16xf32>
        %swap3A_360 = vector.shape_cast %get3A_353 : vector<16xf32> to vector<1x1x16xf32>
        tpu.vector_store %arg7[%swap3A_355, %swap3A_356, %swap3A_357], %swap3A_360 {strides = array<i32>} : memref<4x64x128xf32, #tpu.memory_space<vmem>>, vector<1x1x16xf32>,
        %get3A_361 = arith.constant 25 : i32
        %get3A_362 = arith.index_cast %get3A_361 : i32 to index
        %get3A_363 = arith.index_cast %scan3A_37 : i32 to index
        %get3A_364 = arith.constant 0 : index
        %get3A_365 = tpu.vector_load %arg6[%get3A_362, %get3A_363, %get3A_364] {strides = array<i32>} : memref<26x64x16xf32, #tpu.memory_space<vmem>>, vector<1x1x16xf32>,
        %get3A_366 = vector.shape_cast %get3A_365 : vector<1x1x16xf32> to vector<16xf32>
        %swap3A_367 = arith.constant 3 : i32
        %swap3A_368 = arith.index_cast %swap3A_367 : i32 to index
        %swap3A_369 = arith.index_cast %scan3A_37 : i32 to index
        %swap3A_370 = arith.constant 16 : index
        %swap3A_371 = tpu.vector_load %arg7[%swap3A_368, %swap3A_369, %swap3A_370] {strides = array<i32>} : memref<4x64x128xf32, #tpu.memory_space<vmem>>, vector<1x1x16xf32>,
        %swap3A_372 = vector.shape_cast %swap3A_371 : vector<1x1x16xf32> to vector<16xf32>
        %swap3A_373 = vector.shape_cast %get3A_366 : vector<16xf32> to vector<1x1x16xf32>
        tpu.vector_store %arg7[%swap3A_368, %swap3A_369, %swap3A_370], %swap3A_373 {strides = array<i32>} : memref<4x64x128xf32, #tpu.memory_space<vmem>>, vector<1x1x16xf32>,
        %swap3A_374 = arith.constant 3 : i32
        %swap3A_375 = arith.index_cast %swap3A_374 : i32 to index
        %swap3A_376 = arith.index_cast %scan3A_37 : i32 to index
        %swap3A_377 = arith.constant 32 : index
        %swap3A_378 = tpu.vector_load %arg7[%swap3A_375, %swap3A_376, %swap3A_377] {strides = array<i32>} : memref<4x64x128xf32, #tpu.memory_space<vmem>>, vector<1x1x16xf32>,
        %swap3A_379 = vector.shape_cast %swap3A_378 : vector<1x1x16xf32> to vector<16xf32>
        %swap3A_380 = vector.shape_cast %broadcast_in_dim3A_3 : vector<16xf32> to vector<1x1x16xf32>
        tpu.vector_store %arg7[%swap3A_375, %swap3A_376, %swap3A_377], %swap3A_380 {strides = array<i32>} : memref<4x64x128xf32, #tpu.memory_space<vmem>>, vector<1x1x16xf32>,
        %swap3A_381 = arith.constant 3 : i32
        %swap3A_382 = arith.index_cast %swap3A_381 : i32 to index
        %swap3A_383 = arith.index_cast %scan3A_37 : i32 to index
        %swap3A_384 = arith.constant 48 : index
        %swap3A_385 = tpu.vector_load %arg7[%swap3A_382, %swap3A_383, %swap3A_384] {strides = array<i32>} : memref<4x64x128xf32, #tpu.memory_space<vmem>>, vector<1x1x16xf32>,
        %swap3A_386 = vector.shape_cast %swap3A_385 : vector<1x1x16xf32> to vector<16xf32>
        %swap3A_387 = vector.shape_cast %broadcast_in_dim3A_3 : vector<16xf32> to vector<1x1x16xf32>
        tpu.vector_store %arg7[%swap3A_382, %swap3A_383, %swap3A_384], %swap3A_387 {strides = array<i32>} : memref<4x64x128xf32, #tpu.memory_space<vmem>>, vector<1x1x16xf32>,
        %swap3A_388 = arith.constant 3 : i32
        %swap3A_389 = arith.index_cast %swap3A_388 : i32 to index
        %swap3A_390 = arith.index_cast %scan3A_37 : i32 to index
        %swap3A_391 = arith.constant 64 : index
        %swap3A_392 = tpu.vector_load %arg7[%swap3A_389, %swap3A_390, %swap3A_391] {strides = array<i32>} : memref<4x64x128xf32, #tpu.memory_space<vmem>>, vector<1x1x16xf32>,
        %swap3A_393 = vector.shape_cast %swap3A_392 : vector<1x1x16xf32> to vector<16xf32>
        %swap3A_394 = vector.shape_cast %broadcast_in_dim3A_3 : vector<16xf32> to vector<1x1x16xf32>
        tpu.vector_store %arg7[%swap3A_389, %swap3A_390, %swap3A_391], %swap3A_394 {strides = array<i32>} : memref<4x64x128xf32, #tpu.memory_space<vmem>>, vector<1x1x16xf32>,
        %swap3A_395 = arith.constant 3 : i32
        %swap3A_396 = arith.index_cast %swap3A_395 : i32 to index
        %swap3A_397 = arith.index_cast %scan3A_37 : i32 to index
        %swap3A_398 = arith.constant 80 : index
        %swap3A_399 = tpu.vector_load %arg7[%swap3A_396, %swap3A_397, %swap3A_398] {strides = array<i32>} : memref<4x64x128xf32, #tpu.memory_space<vmem>>, vector<1x1x16xf32>,
        %swap3A_400 = vector.shape_cast %swap3A_399 : vector<1x1x16xf32> to vector<16xf32>
        %swap3A_401 = vector.shape_cast %broadcast_in_dim3A_3 : vector<16xf32> to vector<1x1x16xf32>
        tpu.vector_store %arg7[%swap3A_396, %swap3A_397, %swap3A_398], %swap3A_401 {strides = array<i32>} : memref<4x64x128xf32, #tpu.memory_space<vmem>>, vector<1x1x16xf32>,
        %swap3A_402 = arith.constant 3 : i32
        %swap3A_403 = arith.index_cast %swap3A_402 : i32 to index
        %swap3A_404 = arith.index_cast %scan3A_37 : i32 to index
        %swap3A_405 = arith.constant 96 : index
        %swap3A_406 = tpu.vector_load %arg7[%swap3A_403, %swap3A_404, %swap3A_405] {strides = array<i32>} : memref<4x64x128xf32, #tpu.memory_space<vmem>>, vector<1x1x16xf32>,
        %swap3A_407 = vector.shape_cast %swap3A_406 : vector<1x1x16xf32> to vector<16xf32>
        %swap3A_408 = vector.shape_cast %broadcast_in_dim3A_3 : vector<16xf32> to vector<1x1x16xf32>
        tpu.vector_store %arg7[%swap3A_403, %swap3A_404, %swap3A_405], %swap3A_408 {strides = array<i32>} : memref<4x64x128xf32, #tpu.memory_space<vmem>>, vector<1x1x16xf32>,
        %swap3A_409 = arith.constant 3 : i32
        %swap3A_410 = arith.index_cast %swap3A_409 : i32 to index
        %swap3A_411 = arith.index_cast %scan3A_37 : i32 to index
        %swap3A_412 = arith.constant 112 : index
        %swap3A_413 = tpu.vector_load %arg7[%swap3A_410, %swap3A_411, %swap3A_412] {strides = array<i32>} : memref<4x64x128xf32, #tpu.memory_space<vmem>>, vector<1x1x16xf32>,
        %swap3A_414 = vector.shape_cast %swap3A_413 : vector<1x1x16xf32> to vector<16xf32>
        %swap3A_415 = vector.shape_cast %broadcast_in_dim3A_3 : vector<16xf32> to vector<1x1x16xf32>
        tpu.vector_store %arg7[%swap3A_410, %swap3A_411, %swap3A_412], %swap3A_415 {strides = array<i32>} : memref<4x64x128xf32, #tpu.memory_space<vmem>>, vector<1x1x16xf32>,
      }
      %scan3A_25 = arith.constant 64 : i32
      %add3A_26 = arith.addi %mul3A_2, %mul3A_10 : i32
      %run_scoped3A = arith.constant 0 : i32
      %run_scoped3A_27 = arith.constant 0 : i32
      "tpu.region"() ({
        %run_scoped3A_37 = tpu.sem_alloc : memref<!tpu.dma_semaphore, #tpu.memory_space<semaphore_mem>>
        %dma_start3A = arith.constant 0 : i32
        %dma_start3A_38 = arith.constant 0 : i32
        %dma_start3A_39 = tpu.memref_slice %arg7[%run_scoped3A, %dma_start3A, %dma_start3A_38] : memref<4x64x128xf32, #tpu.memory_space<vmem>> -> memref<1x64x128xf32, #tpu.memory_space<vmem>>
        %dma_start3A_40 = tpu.memref_squeeze %dma_start3A_39 : memref<1x64x128xf32, #tpu.memory_space<vmem>> -> memref<64x128xf32, #tpu.memory_space<vmem>>
        %dma_start3A_41 = arith.constant 0 : i32
        %dma_start3A_42 = tpu.memref_slice %arg4[%run_scoped3A_27, %add3A_26, %dma_start3A_41] : memref<4x16384x128xf32, #tpu.memory_space<hbm>> -> memref<1x64x128xf32, #tpu.memory_space<hbm>>
        %dma_start3A_43 = tpu.memref_squeeze %dma_start3A_42 : memref<1x64x128xf32, #tpu.memory_space<hbm>> -> memref<64x128xf32, #tpu.memory_space<hbm>>
        %dma_start3A_44 = arith.constant 0 : i32
        %dma_start3A_45 = tpu.memref_slice %arg4[%run_scoped3A_27, %add3A_26, %dma_start3A_44] : memref<4x16384x128xf32, #tpu.memory_space<hbm>> -> memref<1x64x128xf32, #tpu.memory_space<hbm>>
        %dma_start3A_46 = tpu.memref_squeeze %dma_start3A_45 : memref<1x64x128xf32, #tpu.memory_space<hbm>> -> memref<64x128xf32, #tpu.memory_space<hbm>>
        %dma_start3A_47 = arith.constant 0 : i32
        %dma_start3A_48 = arith.constant 0 : i32
        %dma_start3A_49 = tpu.memref_slice %arg7[%run_scoped3A, %dma_start3A_47, %dma_start3A_48] : memref<4x64x128xf32, #tpu.memory_space<vmem>> -> memref<1x64x128xf32, #tpu.memory_space<vmem>>
        %dma_start3A_50 = tpu.memref_squeeze %dma_start3A_49 : memref<1x64x128xf32, #tpu.memory_space<vmem>> -> memref<64x128xf32, #tpu.memory_space<vmem>>
        tpu.enqueue_dma source(%dma_start3A_50 : memref<64x128xf32, #tpu.memory_space<vmem>>) target(%dma_start3A_46 : memref<64x128xf32, #tpu.memory_space<hbm>>) target_semaphore(%run_scoped3A_37 : memref<!tpu.dma_semaphore, #tpu.memory_space<semaphore_mem>>)
        %dma_wait3A = arith.constant 0 : i32
        %dma_wait3A_51 = arith.constant 0 : i32
        %dma_wait3A_52 = tpu.memref_slice %arg7[%run_scoped3A, %dma_wait3A, %dma_wait3A_51] : memref<4x64x128xf32, #tpu.memory_space<vmem>> -> memref<1x64x128xf32, #tpu.memory_space<vmem>>
        %dma_wait3A_53 = tpu.memref_squeeze %dma_wait3A_52 : memref<1x64x128xf32, #tpu.memory_space<vmem>> -> memref<64x128xf32, #tpu.memory_space<vmem>>
        %dma_wait3A_54 = arith.constant 0 : i32
        %dma_wait3A_55 = tpu.memref_slice %arg4[%run_scoped3A_27, %add3A_26, %dma_wait3A_54] : memref<4x16384x128xf32, #tpu.memory_space<hbm>> -> memref<1x64x128xf32, #tpu.memory_space<hbm>>
        %dma_wait3A_56 = tpu.memref_squeeze %dma_wait3A_55 : memref<1x64x128xf32, #tpu.memory_space<hbm>> -> memref<64x128xf32, #tpu.memory_space<hbm>>
        %dma_wait3A_57 = arith.constant 0 : i32
        %dma_wait3A_58 = tpu.memref_slice %arg4[%run_scoped3A_27, %add3A_26, %dma_wait3A_57] : memref<4x16384x128xf32, #tpu.memory_space<hbm>> -> memref<1x64x128xf32, #tpu.memory_space<hbm>>
        %dma_wait3A_59 = tpu.memref_squeeze %dma_wait3A_58 : memref<1x64x128xf32, #tpu.memory_space<hbm>> -> memref<64x128xf32, #tpu.memory_space<hbm>>
        %dma_wait3A_60 = arith.constant 0 : i32
        %dma_wait3A_61 = arith.constant 0 : i32
        %dma_wait3A_62 = tpu.memref_slice %arg7[%run_scoped3A, %dma_wait3A_60, %dma_wait3A_61] : memref<4x64x128xf32, #tpu.memory_space<vmem>> -> memref<1x64x128xf32, #tpu.memory_space<vmem>>
        %dma_wait3A_63 = tpu.memref_squeeze %dma_wait3A_62 : memref<1x64x128xf32, #tpu.memory_space<vmem>> -> memref<64x128xf32, #tpu.memory_space<vmem>>
        tpu.wait_dma2 semaphore(%run_scoped3A_37 : memref<!tpu.dma_semaphore, #tpu.memory_space<semaphore_mem>>) src(%dma_wait3A_63 : memref<64x128xf32, #tpu.memory_space<vmem>>) dst(%dma_wait3A_59 : memref<64x128xf32, #tpu.memory_space<hbm>>)
        tpu.yield
      }) : () -> ()
      %add3A_28 = arith.addi %mul3A_2, %mul3A_10 : i32
      %run_scoped3A_29 = arith.constant 1 : i32
      %run_scoped3A_30 = arith.constant 1 : i32
      "tpu.region"() ({
        %run_scoped3A_37 = tpu.sem_alloc : memref<!tpu.dma_semaphore, #tpu.memory_space<semaphore_mem>>
        %dma_start3A = arith.constant 0 : i32
        %dma_start3A_38 = arith.constant 0 : i32
        %dma_start3A_39 = tpu.memref_slice %arg7[%run_scoped3A_29, %dma_start3A, %dma_start3A_38] : memref<4x64x128xf32, #tpu.memory_space<vmem>> -> memref<1x64x128xf32, #tpu.memory_space<vmem>>
        %dma_start3A_40 = tpu.memref_squeeze %dma_start3A_39 : memref<1x64x128xf32, #tpu.memory_space<vmem>> -> memref<64x128xf32, #tpu.memory_space<vmem>>
        %dma_start3A_41 = arith.constant 0 : i32
        %dma_start3A_42 = tpu.memref_slice %arg4[%run_scoped3A_30, %add3A_28, %dma_start3A_41] : memref<4x16384x128xf32, #tpu.memory_space<hbm>> -> memref<1x64x128xf32, #tpu.memory_space<hbm>>
        %dma_start3A_43 = tpu.memref_squeeze %dma_start3A_42 : memref<1x64x128xf32, #tpu.memory_space<hbm>> -> memref<64x128xf32, #tpu.memory_space<hbm>>
        %dma_start3A_44 = arith.constant 0 : i32
        %dma_start3A_45 = tpu.memref_slice %arg4[%run_scoped3A_30, %add3A_28, %dma_start3A_44] : memref<4x16384x128xf32, #tpu.memory_space<hbm>> -> memref<1x64x128xf32, #tpu.memory_space<hbm>>
        %dma_start3A_46 = tpu.memref_squeeze %dma_start3A_45 : memref<1x64x128xf32, #tpu.memory_space<hbm>> -> memref<64x128xf32, #tpu.memory_space<hbm>>
        %dma_start3A_47 = arith.constant 0 : i32
        %dma_start3A_48 = arith.constant 0 : i32
        %dma_start3A_49 = tpu.memref_slice %arg7[%run_scoped3A_29, %dma_start3A_47, %dma_start3A_48] : memref<4x64x128xf32, #tpu.memory_space<vmem>> -> memref<1x64x128xf32, #tpu.memory_space<vmem>>
        %dma_start3A_50 = tpu.memref_squeeze %dma_start3A_49 : memref<1x64x128xf32, #tpu.memory_space<vmem>> -> memref<64x128xf32, #tpu.memory_space<vmem>>
        tpu.enqueue_dma source(%dma_start3A_50 : memref<64x128xf32, #tpu.memory_space<vmem>>) target(%dma_start3A_46 : memref<64x128xf32, #tpu.memory_space<hbm>>) target_semaphore(%run_scoped3A_37 : memref<!tpu.dma_semaphore, #tpu.memory_space<semaphore_mem>>)
        %dma_wait3A = arith.constant 0 : i32
        %dma_wait3A_51 = arith.constant 0 : i32
        %dma_wait3A_52 = tpu.memref_slice %arg7[%run_scoped3A_29, %dma_wait3A, %dma_wait3A_51] : memref<4x64x128xf32, #tpu.memory_space<vmem>> -> memref<1x64x128xf32, #tpu.memory_space<vmem>>
        %dma_wait3A_53 = tpu.memref_squeeze %dma_wait3A_52 : memref<1x64x128xf32, #tpu.memory_space<vmem>> -> memref<64x128xf32, #tpu.memory_space<vmem>>
        %dma_wait3A_54 = arith.constant 0 : i32
        %dma_wait3A_55 = tpu.memref_slice %arg4[%run_scoped3A_30, %add3A_28, %dma_wait3A_54] : memref<4x16384x128xf32, #tpu.memory_space<hbm>> -> memref<1x64x128xf32, #tpu.memory_space<hbm>>
        %dma_wait3A_56 = tpu.memref_squeeze %dma_wait3A_55 : memref<1x64x128xf32, #tpu.memory_space<hbm>> -> memref<64x128xf32, #tpu.memory_space<hbm>>
        %dma_wait3A_57 = arith.constant 0 : i32
        %dma_wait3A_58 = tpu.memref_slice %arg4[%run_scoped3A_30, %add3A_28, %dma_wait3A_57] : memref<4x16384x128xf32, #tpu.memory_space<hbm>> -> memref<1x64x128xf32, #tpu.memory_space<hbm>>
        %dma_wait3A_59 = tpu.memref_squeeze %dma_wait3A_58 : memref<1x64x128xf32, #tpu.memory_space<hbm>> -> memref<64x128xf32, #tpu.memory_space<hbm>>
        %dma_wait3A_60 = arith.constant 0 : i32
        %dma_wait3A_61 = arith.constant 0 : i32
        %dma_wait3A_62 = tpu.memref_slice %arg7[%run_scoped3A_29, %dma_wait3A_60, %dma_wait3A_61] : memref<4x64x128xf32, #tpu.memory_space<vmem>> -> memref<1x64x128xf32, #tpu.memory_space<vmem>>
        %dma_wait3A_63 = tpu.memref_squeeze %dma_wait3A_62 : memref<1x64x128xf32, #tpu.memory_space<vmem>> -> memref<64x128xf32, #tpu.memory_space<vmem>>
        tpu.wait_dma2 semaphore(%run_scoped3A_37 : memref<!tpu.dma_semaphore, #tpu.memory_space<semaphore_mem>>) src(%dma_wait3A_63 : memref<64x128xf32, #tpu.memory_space<vmem>>) dst(%dma_wait3A_59 : memref<64x128xf32, #tpu.memory_space<hbm>>)
        tpu.yield
      }) : () -> ()
      %add3A_31 = arith.addi %mul3A_2, %mul3A_10 : i32
      %run_scoped3A_32 = arith.constant 2 : i32
      %run_scoped3A_33 = arith.constant 2 : i32
      "tpu.region"() ({
        %run_scoped3A_37 = tpu.sem_alloc : memref<!tpu.dma_semaphore, #tpu.memory_space<semaphore_mem>>
        %dma_start3A = arith.constant 0 : i32
        %dma_start3A_38 = arith.constant 0 : i32
        %dma_start3A_39 = tpu.memref_slice %arg7[%run_scoped3A_32, %dma_start3A, %dma_start3A_38] : memref<4x64x128xf32, #tpu.memory_space<vmem>> -> memref<1x64x128xf32, #tpu.memory_space<vmem>>
        %dma_start3A_40 = tpu.memref_squeeze %dma_start3A_39 : memref<1x64x128xf32, #tpu.memory_space<vmem>> -> memref<64x128xf32, #tpu.memory_space<vmem>>
        %dma_start3A_41 = arith.constant 0 : i32
        %dma_start3A_42 = tpu.memref_slice %arg4[%run_scoped3A_33, %add3A_31, %dma_start3A_41] : memref<4x16384x128xf32, #tpu.memory_space<hbm>> -> memref<1x64x128xf32, #tpu.memory_space<hbm>>
        %dma_start3A_43 = tpu.memref_squeeze %dma_start3A_42 : memref<1x64x128xf32, #tpu.memory_space<hbm>> -> memref<64x128xf32, #tpu.memory_space<hbm>>
        %dma_start3A_44 = arith.constant 0 : i32
        %dma_start3A_45 = tpu.memref_slice %arg4[%run_scoped3A_33, %add3A_31, %dma_start3A_44] : memref<4x16384x128xf32, #tpu.memory_space<hbm>> -> memref<1x64x128xf32, #tpu.memory_space<hbm>>
        %dma_start3A_46 = tpu.memref_squeeze %dma_start3A_45 : memref<1x64x128xf32, #tpu.memory_space<hbm>> -> memref<64x128xf32, #tpu.memory_space<hbm>>
        %dma_start3A_47 = arith.constant 0 : i32
        %dma_start3A_48 = arith.constant 0 : i32
        %dma_start3A_49 = tpu.memref_slice %arg7[%run_scoped3A_32, %dma_start3A_47, %dma_start3A_48] : memref<4x64x128xf32, #tpu.memory_space<vmem>> -> memref<1x64x128xf32, #tpu.memory_space<vmem>>
        %dma_start3A_50 = tpu.memref_squeeze %dma_start3A_49 : memref<1x64x128xf32, #tpu.memory_space<vmem>> -> memref<64x128xf32, #tpu.memory_space<vmem>>
        tpu.enqueue_dma source(%dma_start3A_50 : memref<64x128xf32, #tpu.memory_space<vmem>>) target(%dma_start3A_46 : memref<64x128xf32, #tpu.memory_space<hbm>>) target_semaphore(%run_scoped3A_37 : memref<!tpu.dma_semaphore, #tpu.memory_space<semaphore_mem>>)
        %dma_wait3A = arith.constant 0 : i32
        %dma_wait3A_51 = arith.constant 0 : i32
        %dma_wait3A_52 = tpu.memref_slice %arg7[%run_scoped3A_32, %dma_wait3A, %dma_wait3A_51] : memref<4x64x128xf32, #tpu.memory_space<vmem>> -> memref<1x64x128xf32, #tpu.memory_space<vmem>>
        %dma_wait3A_53 = tpu.memref_squeeze %dma_wait3A_52 : memref<1x64x128xf32, #tpu.memory_space<vmem>> -> memref<64x128xf32, #tpu.memory_space<vmem>>
        %dma_wait3A_54 = arith.constant 0 : i32
        %dma_wait3A_55 = tpu.memref_slice %arg4[%run_scoped3A_33, %add3A_31, %dma_wait3A_54] : memref<4x16384x128xf32, #tpu.memory_space<hbm>> -> memref<1x64x128xf32, #tpu.memory_space<hbm>>
        %dma_wait3A_56 = tpu.memref_squeeze %dma_wait3A_55 : memref<1x64x128xf32, #tpu.memory_space<hbm>> -> memref<64x128xf32, #tpu.memory_space<hbm>>
        %dma_wait3A_57 = arith.constant 0 : i32
        %dma_wait3A_58 = tpu.memref_slice %arg4[%run_scoped3A_33, %add3A_31, %dma_wait3A_57] : memref<4x16384x128xf32, #tpu.memory_space<hbm>> -> memref<1x64x128xf32, #tpu.memory_space<hbm>>
        %dma_wait3A_59 = tpu.memref_squeeze %dma_wait3A_58 : memref<1x64x128xf32, #tpu.memory_space<hbm>> -> memref<64x128xf32, #tpu.memory_space<hbm>>
        %dma_wait3A_60 = arith.constant 0 : i32
        %dma_wait3A_61 = arith.constant 0 : i32
        %dma_wait3A_62 = tpu.memref_slice %arg7[%run_scoped3A_32, %dma_wait3A_60, %dma_wait3A_61] : memref<4x64x128xf32, #tpu.memory_space<vmem>> -> memref<1x64x128xf32, #tpu.memory_space<vmem>>
        %dma_wait3A_63 = tpu.memref_squeeze %dma_wait3A_62 : memref<1x64x128xf32, #tpu.memory_space<vmem>> -> memref<64x128xf32, #tpu.memory_space<vmem>>
        tpu.wait_dma2 semaphore(%run_scoped3A_37 : memref<!tpu.dma_semaphore, #tpu.memory_space<semaphore_mem>>) src(%dma_wait3A_63 : memref<64x128xf32, #tpu.memory_space<vmem>>) dst(%dma_wait3A_59 : memref<64x128xf32, #tpu.memory_space<hbm>>)
        tpu.yield
      }) : () -> ()
      %add3A_34 = arith.addi %mul3A_2, %mul3A_10 : i32
      %run_scoped3A_35 = arith.constant 3 : i32
      %run_scoped3A_36 = arith.constant 3 : i32
      "tpu.region"() ({
        %run_scoped3A_37 = tpu.sem_alloc : memref<!tpu.dma_semaphore, #tpu.memory_space<semaphore_mem>>
        %dma_start3A = arith.constant 0 : i32
        %dma_start3A_38 = arith.constant 0 : i32
        %dma_start3A_39 = tpu.memref_slice %arg7[%run_scoped3A_35, %dma_start3A, %dma_start3A_38] : memref<4x64x128xf32, #tpu.memory_space<vmem>> -> memref<1x64x128xf32, #tpu.memory_space<vmem>>
        %dma_start3A_40 = tpu.memref_squeeze %dma_start3A_39 : memref<1x64x128xf32, #tpu.memory_space<vmem>> -> memref<64x128xf32, #tpu.memory_space<vmem>>
        %dma_start3A_41 = arith.constant 0 : i32
        %dma_start3A_42 = tpu.memref_slice %arg4[%run_scoped3A_36, %add3A_34, %dma_start3A_41] : memref<4x16384x128xf32, #tpu.memory_space<hbm>> -> memref<1x64x128xf32, #tpu.memory_space<hbm>>
        %dma_start3A_43 = tpu.memref_squeeze %dma_start3A_42 : memref<1x64x128xf32, #tpu.memory_space<hbm>> -> memref<64x128xf32, #tpu.memory_space<hbm>>
        %dma_start3A_44 = arith.constant 0 : i32
        %dma_start3A_45 = tpu.memref_slice %arg4[%run_scoped3A_36, %add3A_34, %dma_start3A_44] : memref<4x16384x128xf32, #tpu.memory_space<hbm>> -> memref<1x64x128xf32, #tpu.memory_space<hbm>>
        %dma_start3A_46 = tpu.memref_squeeze %dma_start3A_45 : memref<1x64x128xf32, #tpu.memory_space<hbm>> -> memref<64x128xf32, #tpu.memory_space<hbm>>
        %dma_start3A_47 = arith.constant 0 : i32
        %dma_start3A_48 = arith.constant 0 : i32
        %dma_start3A_49 = tpu.memref_slice %arg7[%run_scoped3A_35, %dma_start3A_47, %dma_start3A_48] : memref<4x64x128xf32, #tpu.memory_space<vmem>> -> memref<1x64x128xf32, #tpu.memory_space<vmem>>
        %dma_start3A_50 = tpu.memref_squeeze %dma_start3A_49 : memref<1x64x128xf32, #tpu.memory_space<vmem>> -> memref<64x128xf32, #tpu.memory_space<vmem>>
        tpu.enqueue_dma source(%dma_start3A_50 : memref<64x128xf32, #tpu.memory_space<vmem>>) target(%dma_start3A_46 : memref<64x128xf32, #tpu.memory_space<hbm>>) target_semaphore(%run_scoped3A_37 : memref<!tpu.dma_semaphore, #tpu.memory_space<semaphore_mem>>)
        %dma_wait3A = arith.constant 0 : i32
        %dma_wait3A_51 = arith.constant 0 : i32
        %dma_wait3A_52 = tpu.memref_slice %arg7[%run_scoped3A_35, %dma_wait3A, %dma_wait3A_51] : memref<4x64x128xf32, #tpu.memory_space<vmem>> -> memref<1x64x128xf32, #tpu.memory_space<vmem>>
        %dma_wait3A_53 = tpu.memref_squeeze %dma_wait3A_52 : memref<1x64x128xf32, #tpu.memory_space<vmem>> -> memref<64x128xf32, #tpu.memory_space<vmem>>
        %dma_wait3A_54 = arith.constant 0 : i32
        %dma_wait3A_55 = tpu.memref_slice %arg4[%run_scoped3A_36, %add3A_34, %dma_wait3A_54] : memref<4x16384x128xf32, #tpu.memory_space<hbm>> -> memref<1x64x128xf32, #tpu.memory_space<hbm>>
        %dma_wait3A_56 = tpu.memref_squeeze %dma_wait3A_55 : memref<1x64x128xf32, #tpu.memory_space<hbm>> -> memref<64x128xf32, #tpu.memory_space<hbm>>
        %dma_wait3A_57 = arith.constant 0 : i32
        %dma_wait3A_58 = tpu.memref_slice %arg4[%run_scoped3A_36, %add3A_34, %dma_wait3A_57] : memref<4x16384x128xf32, #tpu.memory_space<hbm>> -> memref<1x64x128xf32, #tpu.memory_space<hbm>>
        %dma_wait3A_59 = tpu.memref_squeeze %dma_wait3A_58 : memref<1x64x128xf32, #tpu.memory_space<hbm>> -> memref<64x128xf32, #tpu.memory_space<hbm>>
        %dma_wait3A_60 = arith.constant 0 : i32
        %dma_wait3A_61 = arith.constant 0 : i32
        %dma_wait3A_62 = tpu.memref_slice %arg7[%run_scoped3A_35, %dma_wait3A_60, %dma_wait3A_61] : memref<4x64x128xf32, #tpu.memory_space<vmem>> -> memref<1x64x128xf32, #tpu.memory_space<vmem>>
        %dma_wait3A_63 = tpu.memref_squeeze %dma_wait3A_62 : memref<1x64x128xf32, #tpu.memory_space<vmem>> -> memref<64x128xf32, #tpu.memory_space<vmem>>
        tpu.wait_dma2 semaphore(%run_scoped3A_37 : memref<!tpu.dma_semaphore, #tpu.memory_space<semaphore_mem>>) src(%dma_wait3A_63 : memref<64x128xf32, #tpu.memory_space<vmem>>) dst(%dma_wait3A_59 : memref<64x128xf32, #tpu.memory_space<hbm>>)
        tpu.yield
      }) : () -> ()
    }
    %scan3A_7 = arith.constant 8 : i32
    return
  }
}

module attributes {stable_mosaic.version = 14 : i64} {
  func.func @_mm_body(%arg0: i32, %arg1: memref<4x1024x128xf32, #tpu.memory_space<vmem>>, %arg2: memref<1024x100xf32, #tpu.memory_space<vmem>>, %arg3: memref<4x128x128xf32, #tpu.memory_space<vmem>>, %arg4: memref<100x128xf32, #tpu.memory_space<vmem>>, %arg5: memref<1x128xf32, #tpu.memory_space<vmem>>, %arg6: memref<1024x128xf32, #tpu.memory_space<vmem>>) attributes {dimension_semantics = [#tpu.dimension_semantics<arbitrary>], iteration_bounds = array<i64: 16>, scalar_prefetch = 0 : i64, scratch_operands = 0 : i64, tpu.core_type = #tpu.core_type<tc>, window_params = [{transform_indices = @transform_0, window_bounds = array<i64: 4, 1024, 128>}, {transform_indices = @transform_1, window_bounds = array<i64: 1024, 100>}, {pipeline_mode = #tpu.pipeline_mode<synchronous>, transform_indices = @transform_2, window_bounds = array<i64: 4, 128, 128>}, {pipeline_mode = #tpu.pipeline_mode<synchronous>, transform_indices = @transform_3, window_bounds = array<i64: 100, 128>}, {pipeline_mode = #tpu.pipeline_mode<synchronous>, transform_indices = @transform_4, window_bounds = array<i64: 1, 128>}, {transform_indices = @transform_5, window_bounds = array<i64: 1024, 128>}]} {
    %get3A = arith.constant 0 : index
    %get3A_0 = arith.constant 0 : index
    %get3A_1 = vector.load %arg2[%get3A, %get3A_0] : memref<1024x100xf32, #tpu.memory_space<vmem>>, vector<1024x100xf32>
    %get3A_2 = arith.constant 0 : index
    %get3A_3 = arith.constant 0 : index
    %get3A_4 = vector.load %arg4[%get3A_2, %get3A_3] : memref<100x128xf32, #tpu.memory_space<vmem>>, vector<100x128xf32>
    %dot_general3A = arith.constant dense<0.000000e+00> : vector<1024x128xf32>
    %dot_general3A_5 = tpu.matmul %get3A_1, %get3A_4, %dot_general3A {dimension_numbers = #tpu.dot_dimension_numbers<[1], [0], [0], [1], [0, 0, 1, 1], [], []>, transpose_lhs_hint = false} : vector<1024x100xf32>, vector<100x128xf32>, vector<1024x128xf32> -> vector<1024x128xf32>
    %get3A_6 = arith.constant 0 : index
    %get3A_7 = arith.constant 0 : index
    %get3A_8 = arith.constant 0 : index
    %get3A_9 = vector.load %arg1[%get3A_6, %get3A_7, %get3A_8] : memref<4x1024x128xf32, #tpu.memory_space<vmem>>, vector<1x1024x128xf32>
    %get3A_10 = vector.shape_cast %get3A_9 : vector<1x1024x128xf32> to vector<1024x128xf32>
    %get3A_11 = arith.constant 0 : index
    %get3A_12 = arith.constant 0 : index
    %get3A_13 = arith.constant 0 : index
    %get3A_14 = vector.load %arg3[%get3A_11, %get3A_12, %get3A_13] : memref<4x128x128xf32, #tpu.memory_space<vmem>>, vector<1x128x128xf32>
    %get3A_15 = vector.shape_cast %get3A_14 : vector<1x128x128xf32> to vector<128x128xf32>
    %dot_general3A_16 = arith.constant dense<0.000000e+00> : vector<1024x128xf32>
    %dot_general3A_17 = tpu.matmul %get3A_10, %get3A_15, %dot_general3A_16 {dimension_numbers = #tpu.dot_dimension_numbers<[1], [0], [0], [1], [0, 0, 1, 1], [], []>, transpose_lhs_hint = false} : vector<1024x128xf32>, vector<128x128xf32>, vector<1024x128xf32> -> vector<1024x128xf32>
    %add3A = arith.addf %dot_general3A_5, %dot_general3A_17 : vector<1024x128xf32>
    %get3A_18 = arith.constant 1 : index
    %get3A_19 = arith.constant 0 : index
    %get3A_20 = arith.constant 0 : index
    %get3A_21 = vector.load %arg1[%get3A_18, %get3A_19, %get3A_20] : memref<4x1024x128xf32, #tpu.memory_space<vmem>>, vector<1x1024x128xf32>
    %get3A_22 = vector.shape_cast %get3A_21 : vector<1x1024x128xf32> to vector<1024x128xf32>
    %get3A_23 = arith.constant 1 : index
    %get3A_24 = arith.constant 0 : index
    %get3A_25 = arith.constant 0 : index
    %get3A_26 = vector.load %arg3[%get3A_23, %get3A_24, %get3A_25] : memref<4x128x128xf32, #tpu.memory_space<vmem>>, vector<1x128x128xf32>
    %get3A_27 = vector.shape_cast %get3A_26 : vector<1x128x128xf32> to vector<128x128xf32>
    %dot_general3A_28 = arith.constant dense<0.000000e+00> : vector<1024x128xf32>
    %dot_general3A_29 = tpu.matmul %get3A_22, %get3A_27, %dot_general3A_28 {dimension_numbers = #tpu.dot_dimension_numbers<[1], [0], [0], [1], [0, 0, 1, 1], [], []>, transpose_lhs_hint = false} : vector<1024x128xf32>, vector<128x128xf32>, vector<1024x128xf32> -> vector<1024x128xf32>
    %add3A_30 = arith.addf %add3A, %dot_general3A_29 : vector<1024x128xf32>
    %get3A_31 = arith.constant 2 : index
    %get3A_32 = arith.constant 0 : index
    %get3A_33 = arith.constant 0 : index
    %get3A_34 = vector.load %arg1[%get3A_31, %get3A_32, %get3A_33] : memref<4x1024x128xf32, #tpu.memory_space<vmem>>, vector<1x1024x128xf32>
    %get3A_35 = vector.shape_cast %get3A_34 : vector<1x1024x128xf32> to vector<1024x128xf32>
    %get3A_36 = arith.constant 2 : index
    %get3A_37 = arith.constant 0 : index
    %get3A_38 = arith.constant 0 : index
    %get3A_39 = vector.load %arg3[%get3A_36, %get3A_37, %get3A_38] : memref<4x128x128xf32, #tpu.memory_space<vmem>>, vector<1x128x128xf32>
    %get3A_40 = vector.shape_cast %get3A_39 : vector<1x128x128xf32> to vector<128x128xf32>
    %dot_general3A_41 = arith.constant dense<0.000000e+00> : vector<1024x128xf32>
    %dot_general3A_42 = tpu.matmul %get3A_35, %get3A_40, %dot_general3A_41 {dimension_numbers = #tpu.dot_dimension_numbers<[1], [0], [0], [1], [0, 0, 1, 1], [], []>, transpose_lhs_hint = false} : vector<1024x128xf32>, vector<128x128xf32>, vector<1024x128xf32> -> vector<1024x128xf32>
    %add3A_43 = arith.addf %add3A_30, %dot_general3A_42 : vector<1024x128xf32>
    %get3A_44 = arith.constant 3 : index
    %get3A_45 = arith.constant 0 : index
    %get3A_46 = arith.constant 0 : index
    %get3A_47 = vector.load %arg1[%get3A_44, %get3A_45, %get3A_46] : memref<4x1024x128xf32, #tpu.memory_space<vmem>>, vector<1x1024x128xf32>
    %get3A_48 = vector.shape_cast %get3A_47 : vector<1x1024x128xf32> to vector<1024x128xf32>
    %get3A_49 = arith.constant 3 : index
    %get3A_50 = arith.constant 0 : index
    %get3A_51 = arith.constant 0 : index
    %get3A_52 = vector.load %arg3[%get3A_49, %get3A_50, %get3A_51] : memref<4x128x128xf32, #tpu.memory_space<vmem>>, vector<1x128x128xf32>
    %get3A_53 = vector.shape_cast %get3A_52 : vector<1x128x128xf32> to vector<128x128xf32>
    %dot_general3A_54 = arith.constant dense<0.000000e+00> : vector<1024x128xf32>
    %dot_general3A_55 = tpu.matmul %get3A_48, %get3A_53, %dot_general3A_54 {dimension_numbers = #tpu.dot_dimension_numbers<[1], [0], [0], [1], [0, 0, 1, 1], [], []>, transpose_lhs_hint = false} : vector<1024x128xf32>, vector<128x128xf32>, vector<1024x128xf32> -> vector<1024x128xf32>
    %add3A_56 = arith.addf %add3A_43, %dot_general3A_55 : vector<1024x128xf32>
    %get3A_57 = arith.constant 0 : index
    %get3A_58 = arith.constant 0 : index
    %get3A_59 = vector.load %arg5[%get3A_57, %get3A_58] : memref<1x128xf32, #tpu.memory_space<vmem>>, vector<1x128xf32>
    %add3A_60 = vector.broadcast %get3A_59 : vector<1x128xf32> to vector<1024x128xf32>
    %add3A_61 = arith.addf %add3A_56, %add3A_60 : vector<1024x128xf32>
    %swap3A = arith.constant 0 : index
    %swap3A_62 = arith.constant 0 : index
    %swap3A_63 = vector.load %arg6[%swap3A, %swap3A_62] : memref<1024x128xf32, #tpu.memory_space<vmem>>, vector<1024x128xf32>
    tpu.vector_store %arg6[%swap3A, %swap3A_62], %add3A_61 {strides = array<i32>} : memref<1024x128xf32, #tpu.memory_space<vmem>>, vector<1024x128xf32>,
    return
  }
  func.func @transform_0(%arg0: i32) -> (i32, i32, i32) {
    %c0_i32 = arith.constant 0 : i32
    %c0_i32_0 = arith.constant 0 : i32
    %c0_i32_1 = arith.constant 0 : i32
    return %c0_i32, %arg0, %c0_i32_0 : i32, i32, i32
  }
  func.func @transform_1(%arg0: i32) -> (i32, i32) {
    %c0_i32 = arith.constant 0 : i32
    %c0_i32_0 = arith.constant 0 : i32
    return %arg0, %c0_i32 : i32, i32
  }
  func.func @transform_2(%arg0: i32) -> (i32, i32, i32) {
    %c0_i32 = arith.constant 0 : i32
    %c0_i32_0 = arith.constant 0 : i32
    %c0_i32_1 = arith.constant 0 : i32
    %c0_i32_2 = arith.constant 0 : i32
    return %c0_i32, %c0_i32_0, %c0_i32_1 : i32, i32, i32
  }
  func.func @transform_3(%arg0: i32) -> (i32, i32) {
    %c0_i32 = arith.constant 0 : i32
    %c0_i32_0 = arith.constant 0 : i32
    %c0_i32_1 = arith.constant 0 : i32
    return %c0_i32, %c0_i32_0 : i32, i32
  }
  func.func @transform_4(%arg0: i32) -> (i32, i32) {
    %c0_i32 = arith.constant 0 : i32
    %c0_i32_0 = arith.constant 0 : i32
    %c0_i32_1 = arith.constant 0 : i32
    return %c0_i32, %c0_i32_0 : i32, i32
  }
  func.func @transform_5(%arg0: i32) -> (i32, i32) {
    %c0_i32 = arith.constant 0 : i32
    %c0_i32_0 = arith.constant 0 : i32
    return %arg0, %c0_i32 : i32, i32
  }
}

</mosaic_0001>

<sc_bundles>
// kernel: kernel.4.cloned.1.call-start
scs
__scs_entry_jumppad:
0x0: {  	(pc) =	sbr.rel $0x88, $3  }
0x1: {  	(tag) =	ssettag $0x0;
	lr =	simm.s32 $0x1  }
0x2: {  	[smem:$0x3F9C] =	sst lr;
	_ =	strace $0xD0000000  }
0x3: {  	_ = 	snop  }
0x4: {  	_ = 	snop  }
0x5: {  	_ = 	snop  }
0x6: {  	_ = 	snop  }
0x7: {  	_ = 	snop  }
__scs_overlays_trampoline_lowered:
0x8: {  	[smem:$0x3FAB] =	sst s0  }
0x9: {  	[smem:$0x3FAC] =	sst s1  }
0xa: {  	[smem:$0x3FAD] =	sst s2  }
0xb: {  	[smem:$0x3FAE] =	sst s3  }
0xc: {  	[smem:$0x3FAF] =	sst s4  }
0xd: {  	[smem:$0x3FB0] =	sst s5  }
0xe: {  	[smem:$0x3FB1] =	sst s6  }
0xf: {  	[smem:$0x3FB2] =	sst s7  }
0x10: {  	[smem:$0x3FB3] =	sst s8  }
0x11: {  	[smem:$0x3FB4] =	sst s9;
	s0 =	simm.s32 @!p0 $0x0  }
0x12: {  	s1 =	sld [smem:$0x3F9A];
	s0 =	simm.s32 @p0 $0x1  }
0x13: {  	[smem:$0x3FB5] =	sst s0;
	s0 =	simm.s32 @!p1 $0x0  }
0x14: {  	s2 =	sld [smem:$0x3F99];
	s0 =	simm.s32 @p1 $0x1  }
0x15: {  	[smem:$0x3FB6] =	sst s0;
	s0 =	simm.s32 @!p2 $0x0  }
0x16: {  	s3 =	sld [smem:$0x3FDB];
	s0 =	simm.s32 @p2 $0x1  }
0x17: {  	s4 =	simm.s32 $0x1BF5;
	[smem:$0x3FB8] =	sst s0  }
0x18: {  	s0 =	sld [smem:$0x3F9B];
	_ =	swait.ge [sflag:s4], $0x0  }
0x19: {  	s7 =	sld [smem:$0x3F9C]  }
0x1a: {  	s8 =	sadd.s32 $0xFFFFE003, lr  }
0x1b: {  	s9 =	sadd.s32 $0xFFFFFEF7, lr;
	s5 =	simm.s32 $0xFFFFFFFF;
	p2 =	slt.u32 s8, $0xFFFFF086  }
0x1c: {  	p1 =	slt.u32 s9, $0xF7A;
	s5 =	simm.s32 @!p2 $0x0  }
0x1d: {  	s5 =	simm.s32 @p1 $0x1;
	p0 =	seq.s32 s7, s2  }
0x1e: {  	s7 =	smul.u32 @!p0 $0xF7A, s2;
	p2 =	seq.s32 @!p0 s5, $0x0  }
0x1f: {  	s9 =	smul.u32 $0xF7A, s1;
	s8 =	simm.s32 @!p0 $0x1BF5;
	p2 =	por !p2, p0  }
0x20: {  	[sflag:s8] =	ssyncset.s32 @!p0 $0xFFFFF086;
	s6 =	sadd.s32 @!p0 s3, s7;
	s7 =	simm.s32 @!p0 $0x108  }
0x21: {  	s3 =	sadd.s32 s3, s9;
	s6 =	sadd.s32 @!p0 $0x88, s6;
	s7 =	simm.s32 @p2 $0x1082  }
0x22: {  	[simem:s7], [sflag:s8] =	dma.local @!p0 [hbm:s6], $0xF7A  }
0x23: {  	s9 =	sor.u32 $0xD0000000, s2;
	s6 =	simm.s32 $0x108;
	_ =	swait.ge @!p0 [sflag:s8], $0x0  }
0x24: {  	s3 =	sadd.s32 $0x88, s3;
	s6 =	simm.s32 @!p1 $0x1082;
	[sflag:s4] =	ssyncset.s32 $0xFFFFF086  }
0x25: {  	[simem:s6], [sflag:s4] =	dma.local [hbm:s3], $0xF7A  }
0x26: {  	[smem:$0x3F9C] =	sst s1;
	(tag) =	ssettag s2;
	_ =	strace s9  }
0x27: {  	s1 =	sld [smem:$0x3FAC]  }
0x28: {  	s2 =	sld [smem:$0x3FAD]  }
0x29: {  	s4 =	sld [smem:$0x3FAF]  }
0x2a: {  	p0 =	seq.s32 s5, $0x0;
	s5 =	sld [smem:$0x3FB0]  }
0x2b: {  	s6 =	sld [smem:$0x3FB1]  }
0x2c: {  	s7 =	sld [smem:$0x3FB2]  }
0x2d: {  	s3 =	simm.s32 $0x108;
	s8 =	sld [smem:$0x3FB3]  }
0x2e: {  	s3 =	simm.s32 @!p0 $0x1082;
	s9 =	sld [smem:$0x3FB4]  }
0x2f: {  	lr =	sadd.s32 s0, s3;
	s0 =	sld [smem:$0x3FAB]  }
0x30: {  	s3 =	sld [smem:$0x3FAE]  }
0x31: {  	[smem:$0x3FB7] =	sst s10  }
0x32: {  	s10 =	sld [smem:$0x3FB5];
	_ =	sdelay $0x3  }
0x33: {  	p0 =	seq.s32 s10, $0x1;
	s10 =	sld [smem:$0x3FB7];
	_ =	sdelay $0x3  }
0x34: {  	[smem:$0x3FB7] =	sst s10  }
0x35: {  	s10 =	sld [smem:$0x3FB6];
	_ =	sdelay $0x3  }
0x36: {  	p1 =	seq.s32 s10, $0x1;
	s10 =	sld [smem:$0x3FB7];
	_ =	sdelay $0x3  }
0x37: {  	[smem:$0x3FB7] =	sst s10  }
0x38: {  	s10 =	sld [smem:$0x3FB8]  }
0x39: {  	_ = 	snop;
	(pc) =	sbr.ind lr, $3  }
0x3a: {  	_ = 	snop  }
0x3b: {  	_ = 	snop  }
0x3c: {  	p2 =	seq.s32 s10, $0x1;
	s10 =	sld [smem:$0x3FB7]  }
0x3d: {  	_ =	shalt  }
0x3e: {  	_ =	shalt  }
0x3f: {  	_ =	shalt  }
0x40: {  	_ =	shalt  }
0x41: {  	_ =	shalt  }
0x42: {  	_ =	shalt  }
0x43: {  	_ =	shalt  }
0x44: {  	_ =	shalt  }
0x45: {  	_ =	shalt  }
0x46: {  	_ =	shalt  }
0x47: {  	_ =	shalt  }
0x48: {  	_ =	shalt  }
0x49: {  	_ =	shalt  }
0x4a: {  	_ =	shalt  }
0x4b: {  	_ =	shalt  }
0x4c: {  	_ =	shalt  }
0x4d: {  	_ =	shalt  }
0x4e: {  	_ =	shalt  }
0x4f: {  	_ =	shalt  }
0x50: {  	_ =	shalt  }
0x51: {  	_ =	shalt  }
0x52: {  	_ =	shalt  }
0x53: {  	_ =	shalt  }
0x54: {  	_ =	shalt  }
0x55: {  	_ =	shalt  }
0x56: {  	_ =	shalt  }
0x57: {  	_ =	shalt  }
0x58: {  	_ =	shalt  }
0x59: {  	_ =	shalt  }
0x5a: {  	_ =	shalt  }
0x5b: {  	_ =	shalt  }
0x5c: {  	_ =	shalt  }
0x5d: {  	_ =	shalt  }
0x5e: {  	_ =	shalt  }
0x5f: {  	_ =	shalt  }
0x60: {  	_ =	shalt  }
0x61: {  	_ =	shalt  }
0x62: {  	_ =	shalt  }
0x63: {  	_ =	shalt  }
0x64: {  	_ =	shalt  }
0x65: {  	_ =	shalt  }
0x66: {  	_ =	shalt  }
0x67: {  	_ =	shalt  }
0x68: {  	_ =	shalt  }
0x69: {  	_ =	shalt  }
0x6a: {  	_ =	shalt  }
0x6b: {  	_ =	shalt  }
0x6c: {  	_ =	shalt  }
0x6d: {  	_ =	shalt  }
0x6e: {  	_ =	shalt  }
0x6f: {  	_ =	shalt  }
0x70: {  	_ =	shalt  }
0x71: {  	_ =	shalt  }
0x72: {  	_ =	shalt  }
0x73: {  	_ =	shalt  }
0x74: {  	_ =	shalt  }
0x75: {  	_ =	shalt  }
0x76: {  	_ =	shalt  }
0x77: {  	_ =	shalt  }
0x78: {  	_ =	shalt  }
0x79: {  	_ =	shalt  }
0x7a: {  	_ =	shalt  }
0x7b: {  	_ =	shalt  }
0x7c: {  	_ =	shalt  }
0x7d: {  	_ =	shalt  }
0x7e: {  	_ =	shalt  }
0x7f: {  	_ =	shalt  }
0x80: {  	_ =	shalt  }
0x81: {  	_ =	shalt  }
0x82: {  	_ =	shalt  }
0x83: {  	_ =	shalt  }
0x84: {  	_ =	shalt  }
0x85: {  	_ =	shalt  }
0x86: {  	_ =	shalt  }
0x87: {  	_ =	shalt  }
.Lfunc_end0:
.L_simem_size_0:
called_computation_lowered:
.L_overlay_start_0:
0x88: {  	s2 =	sld [smem:$0x3FD9]  }
0x89: {  	s3 =	sld [smem:$0x3FFE];
	_ =	sdelay $0x1  }
0x8a: {  	s1 =	srdreg.scid  }
0x8b: {  	s0 =	sand.u32 $0x1, s1  }
0x8c: {  	s17 =	sshll.u32 s0, $0xA;
	s2 =	sadd.s32 s3, s2  }
0x8d: {  	s2 =	sadd.s32 s2, s17  }
0x8e: {  	[smem:$0x3FC3] =	sst s2  }
0x8f: {  	_ = 	snop  }
0x90: {  	s2 =	sld [smem:$0x3FD0];
	(tm) =	ssettm $0x1  }
0x91: {  	s18 =	sld [smem:$0x3FFB];
	_ =	sdelay $0x3  }
0x92: {  	_ =	strace s18  }
0x93: {  	s3 =	sld [smem:$0x3FFC];
	_ =	sdelay $0x3  }
0x94: {  	_ =	strace s3  }
0x95: {  	s3 =	sld [smem:$0x3FFD];
	_ =	sdelay $0x3  }
0x96: {  	_ =	strace s3  }
0x97: {  	_ =	strace $0x8FFFFFFF  }
0x98: {  	s19 =	sld [smem:$0x3FDB];
	_ =	sdelay $0x1  }
0x99: {  	s4 =	simm.s32 $_scs_section_size  }
0x9a: {  	s5 =	simm.s32 $_size__tile_overlayer_lowered;
	s6 =	simm.s32 $_tile_overlayer_lowered  }
0x9b: {  	s22 =	simm.s32 $0x1BFF;
	s21 =	sshll.u32 s6, $0x1;
	s3 =	sadd.s32 s4, s19  }
0x9c: {  	s7 =	simm.s32 $0x0;
	s20 =	sshll.u32 s5, $0x1;
	s5 =	sadd.s32 s21, s3  }
0x9d: {  	[timem:s7], [sflag:s22] =	dma.local [hbm:s5], s20  }
0x9e: {  	_ =	swait.ge [sflag:s22], s20  }
0x9f: {  	s4 =	ssub.s32 $0x0, s20;
	[sflag:s22] =	ssyncset.done $0x0  }
0xa0: {  	[sflag:s22] =	ssyncadd.s32 s4;
	_ =	sdelay $0x1  }
0xa1: {  	s23 =	simm.s32 $0x1B8B  }
0xa2: {  	_ =	swait.ge [sflag:s23], $0x1  }
0xa3: {  	[sflag:s23] =	ssyncset.done $0x0  }
0xa4: {  	s25 =	simm.s32 $0x1B8E;
	s24 =	sld [smem:$0x3FFE];
	[sflag:s23] =	ssyncadd.s32 $0xFFFFFFFF  }
0xa5: {  	s26 =	simm.s32 $execute0_lowered;
	[smem:$0x3FD2] =	sst s25  }
0xa6: {  	s5 =	sshll.u32 s26, $0x1;
	_ =	strace $0x80000046;
	[dreg:$0x1] =	wrdreg $0xFFFFFFFF  }
0xa7: {  	s28 =	simm.s32 $_size_execute0_lowered;
	s3 =	sadd.s32 s3, s5;
	[dreg:$0x0] =	wrdreg $0x0  }
0xa8: {  	s5 =	sshll.u32 s28, $0x1;
	[dreg:$0x2] =	wrdreg s3  }
0xa9: {  	[dreg:$0x3] =	wrdreg s5  }
0xaa: {  	[dreg:$0x4] =	wrdreg $0xC0  }
0xab: {  	_ =	task [dreg:s7], $0x5FFFF  }
0xac: {  	[dreg:$0x1] =	wrdreg $0xFFFFFFFF  }
0xad: {  	[dreg:$0x0] =	wrdreg $0x60  }
0xae: {  	[dreg:$0x2] =	wrdreg s2  }
0xaf: {  	[dreg:$0x3] =	wrdreg s24  }
0xb0: {  	[dreg:$0x4] =	wrdreg $0x9  }
0xb1: {  	_ =	task.clear_ibuf [dreg:s7], $0x5FFFF;
	_ =	strace $0x90000046  }
0xb2: {  	s29 =	simm.s32 $0x9;
	_ =	strace $0x80000048  }
0xb3: {  	_ =	swait.ge [sflag:s29], $0x1  }
0xb4: {  	[sflag:s29] =	ssyncadd.s32 $0xFFFFFFFF  }
0xb5: {  	_ =	strace $0x90000048  }
0xb6: {  	_ =	sfence  }
0xb7: {  	s30 =	sld [smem:$0x0];
	_ =	sdelay $0x2  }
0xb8: {  	s31 =	sshll.u32 s1, $0xD;
	s1 =	sshrl.u32 s1, $0x2  }
0xb9: {  	s3 =	sand.u32 $0x4000, s31;
	s1 =	sadd.s32 s1, s30  }
0xba: {  	s0 =	sor.u32 s3, s0;
	s1 =	sshll.u32 s1, $0x11  }
0xbb: {  	s0 =	sor.u32 s1, s0  }
0xbc: {  	s0 =	sadd.s32 $0x8F2B, s0  }
0xbd: {  	[sflag:s0] =	ssyncadd.remote.s32 $0x1  }
0xbe: {  	_ =	sfence.sel $0xFFFF  }
0xbf: {  	[dreg:$0x0] =	wrdreg $0xFFFFFFFF;
	(pc) =	sbr.abs _section_cstart, $3  }
0xc0: {  	[dreg:$0x1] =	wrdreg $0xFFFFFFFF  }
0xc1: {  	_ =	task.clear_ibuf [dreg:s7], $0x2FFFF;
	_ =	strace $0x9FFFFFFF  }
0xc2: {  	(tm) =	ssettm $0x7FFFFFFF  }
0xc3: {  	_ =	shalt  }
tec
execute0_lowered:
.L_overlay_start_1:
0x0: {  	(tag) =	ssettag $0x1  }
0x1: {  	s6 =	rddreg [dreg:$0x0]  }
0x2: {  	s9 =	rddreg [dreg:$0x1]  }
0x3: {  	s0 =	rddreg [dreg:$0x2]  }
0x4: {  	s2 =	simm.s32 $0x0;
	s3 =	srdreg.scid;
	s1 =	stileid.u32  }
0x5: {  	s11 =	simm.s32 $0x200;
	s12 =	simm.s32 $0x4000;
	s13 =	simm.s32 $0x2  }
0x6: {  	s14 =	simm.s32 $0x40;
	s15 =	simm.s32 $0x1;
	s16 =	simm.s32 $0x9C00  }
0x7: {  	s17 =	simm.s32 $0xBC00;
	s18 =	simm.s32 $0xDC00;
	s19 =	simm.s32 $0xFC00  }
0x8: {  	s20 =	simm.s32 $0x0;
	[smem:$0x7FF] =	sst s2;
	s3 =	sand.u32 $0x1, s3  }
0x9: {  	s4 =	sshll.u32 s1, $0xA;
	_ =	strace $0x80000047;
	s7 =	ssub.s32 $0x2, s3  }
0xa: {  	s5 =	sshll.u32 s3, $0x9;
	s3 =	sadd.s32 $0x27AD200, s9;
	s8 =	sshrl.u32 s7, $0x1  }
0xb: {  	s4 =	sor.u32 s5, s4;
	s5 =	sadd.s32 $0xE00, s9;
	s10 =	ssub.s32 s7, s8  }
0xc: {  	s31 =	sshrl.u32 s4, $0x3;
	s7 =	sadd.s32 $0x40E00, s9;
	s8 =	sadd.s32 $0x80E00, s9  }
0xd: {  	v0 =	vimm.f32 $0.0e+00;
	s9 =	sadd.s32 $0xC0E00, s9;
	s6 =	sadd.s32 s6, s31;
	s10 =	smax.u32 s10, $0x1  }
.LBB2_1:
0xe: {  	[tilespmem:s2], [sflag:$0x2] =	stream.strided.gather [hbm4b:s6+s11], $0x3400, s12, s11, $0x38;
	[tilespmem:$0x11C00] =	vst v63  }
0xf: {  	_ =	swait.ge [sflag:s13], $0x3400  }
0x10: {  	[sflag:s13] =	ssyncset.done $0x0  }
0x11: {  	s21 =	simm.s32 $0x0;
	s22 =	simm.s32 $0x0;
	[sflag:s13] =	ssyncadd.s32 $0xFFFFCC00  }
.LBB2_2:
0x12: {  	s24 =	simm.s32 $0x3400;
	s23 =	sadd.s32 $0x0, s21  }
0x13: {  	[tilespmem:s24], [sflag:$0x1] =	stream.indirect.gather [hbm4b:s3+s14], $0x10, s23, s14, $0xb8;
	[tilespmem:$0x11C00] =	vst v63  }
0x14: {  	s25 =	simm.s32 $0x800;
	s26 =	smov.u32 s3;
	s23 =	sshll.u32 s22, $0x6  }
.LBB2_3:
0x15: {  	p0 =	sne.s32 s25, $0xC800  }
.Ltmp0:
0x16: {  	_ = 	snop;
	(pc) =	sbr.rel @p0 .LBB2_3-.Ltmp0, $4  }
0x17: {  	_ = 	snop  }
0x18: {  	s28 =	sshra.s32 s25, $0x2;
	s25 =	sadd.s32 $0x800, s25  }
0x19: {  	s24 =	sadd.s32 $0x400, s24;
	s26 =	sadd.s32 $0x30D40, s26;
	s28 =	sadd.s32 s28, s21  }
0x1a: {  	[tilespmem:s24], [sflag:$0x1] =	stream.indirect.gather [hbm4b:s26+s14], $0x10, s28, s14, $0xb8;
	[tilespmem:$0x11C00] =	vst v63  }
0x1b: {  	_ =	swait.ge [sflag:s15], $0x400  }
0x1c: {  	[sflag:s15] =	ssyncset.done $0x0  }
0x1d: {  	[sflag:s15] =	ssyncadd.s32 $0xFFFFFC00  }
0x1e: {  	_ =	swait.ge [sflag:s15], $0x400  }
0x1f: {  	[sflag:s15] =	ssyncset.done $0x0  }
0x20: {  	[sflag:s15] =	ssyncadd.s32 $0xFFFFFC00  }
0x21: {  	_ =	swait.ge [sflag:s15], $0x400  }
0x22: {  	[sflag:s15] =	ssyncset.done $0x0  }
0x23: {  	[sflag:s15] =	ssyncadd.s32 $0xFFFFFC00  }
0x24: {  	_ =	swait.ge [sflag:s15], $0x400  }
0x25: {  	[sflag:s15] =	ssyncset.done $0x0  }
0x26: {  	[sflag:s15] =	ssyncadd.s32 $0xFFFFFC00  }
0x27: {  	_ =	swait.ge [sflag:s15], $0x400  }
0x28: {  	[sflag:s15] =	ssyncset.done $0x0  }
0x29: {  	[sflag:s15] =	ssyncadd.s32 $0xFFFFFC00  }
0x2a: {  	_ =	swait.ge [sflag:s15], $0x400  }
0x2b: {  	[sflag:s15] =	ssyncset.done $0x0  }
0x2c: {  	[sflag:s15] =	ssyncadd.s32 $0xFFFFFC00  }
0x2d: {  	_ =	swait.ge [sflag:s15], $0x400  }
0x2e: {  	[sflag:s15] =	ssyncset.done $0x0  }
0x2f: {  	[sflag:s15] =	ssyncadd.s32 $0xFFFFFC00  }
0x30: {  	_ =	swait.ge [sflag:s15], $0x400  }
0x31: {  	[sflag:s15] =	ssyncset.done $0x0  }
0x32: {  	[sflag:s15] =	ssyncadd.s32 $0xFFFFFC00  }
0x33: {  	_ =	swait.ge [sflag:s15], $0x400  }
0x34: {  	[sflag:s15] =	ssyncset.done $0x0  }
0x35: {  	[sflag:s15] =	ssyncadd.s32 $0xFFFFFC00  }
0x36: {  	_ =	swait.ge [sflag:s15], $0x400  }
0x37: {  	[sflag:s15] =	ssyncset.done $0x0  }
0x38: {  	[sflag:s15] =	ssyncadd.s32 $0xFFFFFC00  }
0x39: {  	_ =	swait.ge [sflag:s15], $0x400  }
0x3a: {  	[sflag:s15] =	ssyncset.done $0x0  }
0x3b: {  	[sflag:s15] =	ssyncadd.s32 $0xFFFFFC00  }
0x3c: {  	_ =	swait.ge [sflag:s15], $0x400  }
0x3d: {  	[sflag:s15] =	ssyncset.done $0x0  }
0x3e: {  	[sflag:s15] =	ssyncadd.s32 $0xFFFFFC00  }
0x3f: {  	_ =	swait.ge [sflag:s15], $0x400  }
0x40: {  	[sflag:s15] =	ssyncset.done $0x0  }
0x41: {  	[sflag:s15] =	ssyncadd.s32 $0xFFFFFC00  }
0x42: {  	_ =	swait.ge [sflag:s15], $0x400  }
0x43: {  	[sflag:s15] =	ssyncset.done $0x0  }
0x44: {  	[sflag:s15] =	ssyncadd.s32 $0xFFFFFC00  }
0x45: {  	_ =	swait.ge [sflag:s15], $0x400  }
0x46: {  	[sflag:s15] =	ssyncset.done $0x0  }
0x47: {  	[sflag:s15] =	ssyncadd.s32 $0xFFFFFC00  }
0x48: {  	_ =	swait.ge [sflag:s15], $0x400  }
0x49: {  	[sflag:s15] =	ssyncset.done $0x0  }
0x4a: {  	[sflag:s15] =	ssyncadd.s32 $0xFFFFFC00  }
0x4b: {  	_ =	swait.ge [sflag:s15], $0x400  }
0x4c: {  	[sflag:s15] =	ssyncset.done $0x0  }
0x4d: {  	[sflag:s15] =	ssyncadd.s32 $0xFFFFFC00  }
0x4e: {  	_ =	swait.ge [sflag:s15], $0x400  }
0x4f: {  	[sflag:s15] =	ssyncset.done $0x0  }
0x50: {  	[sflag:s15] =	ssyncadd.s32 $0xFFFFFC00  }
0x51: {  	_ =	swait.ge [sflag:s15], $0x400  }
0x52: {  	[sflag:s15] =	ssyncset.done $0x0  }
0x53: {  	[sflag:s15] =	ssyncadd.s32 $0xFFFFFC00  }
0x54: {  	_ =	swait.ge [sflag:s15], $0x400  }
0x55: {  	[sflag:s15] =	ssyncset.done $0x0  }
0x56: {  	[sflag:s15] =	ssyncadd.s32 $0xFFFFFC00  }
0x57: {  	_ =	swait.ge [sflag:s15], $0x400  }
0x58: {  	[sflag:s15] =	ssyncset.done $0x0  }
0x59: {  	[sflag:s15] =	ssyncadd.s32 $0xFFFFFC00  }
0x5a: {  	_ =	swait.ge [sflag:s15], $0x400  }
0x5b: {  	[sflag:s15] =	ssyncset.done $0x0  }
0x5c: {  	[sflag:s15] =	ssyncadd.s32 $0xFFFFFC00  }
0x5d: {  	_ =	swait.ge [sflag:s15], $0x400  }
0x5e: {  	[sflag:s15] =	ssyncset.done $0x0  }
0x5f: {  	[sflag:s15] =	ssyncadd.s32 $0xFFFFFC00  }
0x60: {  	_ =	swait.ge [sflag:s15], $0x400  }
0x61: {  	[sflag:s15] =	ssyncset.done $0x0  }
0x62: {  	[sflag:s15] =	ssyncadd.s32 $0xFFFFFC00  }
0x63: {  	_ =	swait.ge [sflag:s15], $0x400  }
0x64: {  	[sflag:s15] =	ssyncset.done $0x0  }
0x65: {  	[sflag:s15] =	ssyncadd.s32 $0xFFFFFC00  }
0x66: {  	_ =	swait.ge [sflag:s15], $0x400  }
0x67: {  	[sflag:s15] =	ssyncset.done $0x0  }
0x68: {  	s24 =	simm.s32 $0x3400;
	[sflag:s15] =	ssyncadd.s32 $0xFFFFFC00  }
0x69: {  	s25 =	simm.s32 $0x0;
	s26 =	simm.s32 $0x200;
	v1 =	vld [tilespmem:s24+$0x0]  }
.LBB2_5:
0x6a: {  	p0 =	sne.s32 s26, $0x7E00;
	_ =	sdelay $0x2  }
0x6b: {  	s28 =	sshra.s32 s25, $0x2;
	s25 =	smov.u32 s26  }
0x6c: {  	[tilespmem:s28+$0x9C00] =	vst v1  }
0x6d: {  	v1 =	vld [tilespmem:s24+$0x400];
	_ =	sdelay $0x4  }
0x6e: {  	[tilespmem:s28+$0x9C10] =	vst v1  }
0x6f: {  	v1 =	vld [tilespmem:s24+$0x800];
	_ =	sdelay $0x4  }
0x70: {  	[tilespmem:s28+$0x9C20] =	vst v1  }
0x71: {  	v1 =	vld [tilespmem:s24+$0xC00];
	_ =	sdelay $0x4  }
0x72: {  	[tilespmem:s28+$0x9C30] =	vst v1  }
0x73: {  	v1 =	vld [tilespmem:s24+$0x1000];
	_ =	sdelay $0x4  }
0x74: {  	[tilespmem:s28+$0x9C40] =	vst v1  }
0x75: {  	v1 =	vld [tilespmem:s24+$0x1400];
	_ =	sdelay $0x4  }
0x76: {  	[tilespmem:s28+$0x9C50] =	vst v1  }
0x77: {  	v1 =	vld [tilespmem:s24+$0x1800];
	_ =	sdelay $0x4  }
0x78: {  	[tilespmem:s28+$0x9C60] =	vst v1  }
0x79: {  	v1 =	vld [tilespmem:s24+$0x1C00];
	_ =	sdelay $0x4  }
0x7a: {  	[tilespmem:s28+$0x9C70] =	vst v1  }
0x7b: {  	v1 =	vld [tilespmem:s24+$0x2000];
	_ =	sdelay $0x4  }
0x7c: {  	[tilespmem:s28+$0xBC00] =	vst v1  }
0x7d: {  	v1 =	vld [tilespmem:s24+$0x2400];
	_ =	sdelay $0x4  }
0x7e: {  	[tilespmem:s28+$0xBC10] =	vst v1  }
0x7f: {  	v1 =	vld [tilespmem:s24+$0x2800];
	_ =	sdelay $0x4  }
0x80: {  	[tilespmem:s28+$0xBC20] =	vst v1  }
0x81: {  	v1 =	vld [tilespmem:s24+$0x2C00];
	_ =	sdelay $0x4  }
0x82: {  	[tilespmem:s28+$0xBC30] =	vst v1  }
0x83: {  	v1 =	vld [tilespmem:s24+$0x3000];
	_ =	sdelay $0x4  }
0x84: {  	[tilespmem:s28+$0xBC40] =	vst v1  }
0x85: {  	v1 =	vld [tilespmem:s24+$0x3400];
	_ =	sdelay $0x4  }
0x86: {  	[tilespmem:s28+$0xBC50] =	vst v1  }
0x87: {  	v1 =	vld [tilespmem:s24+$0x3800];
	_ =	sdelay $0x4  }
0x88: {  	[tilespmem:s28+$0xBC60] =	vst v1  }
0x89: {  	v1 =	vld [tilespmem:s24+$0x3C00];
	_ =	sdelay $0x4  }
0x8a: {  	[tilespmem:s28+$0xBC70] =	vst v1  }
0x8b: {  	v1 =	vld [tilespmem:s24+$0x4000];
	_ =	sdelay $0x4  }
0x8c: {  	[tilespmem:s28+$0xDC00] =	vst v1  }
0x8d: {  	v1 =	vld [tilespmem:s24+$0x4400];
	_ =	sdelay $0x4  }
0x8e: {  	[tilespmem:s28+$0xDC10] =	vst v1  }
0x8f: {  	v1 =	vld [tilespmem:s24+$0x4800];
	_ =	sdelay $0x4  }
0x90: {  	[tilespmem:s28+$0xDC20] =	vst v1  }
0x91: {  	v1 =	vld [tilespmem:s24+$0x4C00];
	_ =	sdelay $0x4  }
0x92: {  	[tilespmem:s28+$0xDC30] =	vst v1  }
0x93: {  	v1 =	vld [tilespmem:s24+$0x5000];
	_ =	sdelay $0x4  }
0x94: {  	[tilespmem:s28+$0xDC40] =	vst v1  }
0x95: {  	v1 =	vld [tilespmem:s24+$0x5400];
	_ =	sdelay $0x4  }
0x96: {  	[tilespmem:s28+$0xDC50] =	vst v1  }
0x97: {  	v1 =	vld [tilespmem:s24+$0x5800];
	_ =	sdelay $0x4  }
0x98: {  	[tilespmem:s28+$0xDC60] =	vst v1  }
0x99: {  	v1 =	vld [tilespmem:s24+$0x5C00];
	_ =	sdelay $0x4  }
0x9a: {  	[tilespmem:s28+$0xDC70] =	vst v1  }
0x9b: {  	v1 =	vld [tilespmem:s24+$0x6000];
	_ =	sdelay $0x4  }
0x9c: {  	[tilespmem:s28+$0xFC00] =	vst v1  }
0x9d: {  	v1 =	vld [tilespmem:s24+$0x6400];
	[tilespmem:s28+$0xFC20] =	vst v0  }
0x9e: {  	[tilespmem:s28+$0xFC30] =	vst v0  }
0x9f: {  	[tilespmem:s28+$0xFC40] =	vst v0  }
.Ltmp1:
0xa0: {  	[tilespmem:s28+$0xFC50] =	vst v0;
	(pc) =	sbr.rel @p0 .LBB2_5-.Ltmp1, $4  }
0xa1: {  	[tilespmem:s28+$0xFC60] =	vst v0  }
0xa2: {  	[tilespmem:s28+$0xFC10] =	vst v1  }
0xa3: {  	s24 =	sadd.s32 $0x10, s24;
	[tilespmem:s28+$0xFC70] =	vst v0  }
0xa4: {  	s26 =	sadd.s32 $0x200, s26;
	v1 =	vld [tilespmem:s24+$0x0]  }
0xa5: {  	_ =	sdelay $0x2  }
0xa6: {  	s25 =	sshra.s32 s25, $0x2  }
0xa7: {  	[tilespmem:s25+$0x9C00] =	vst v1  }
0xa8: {  	v1 =	vld [tilespmem:s24+$0x400];
	_ =	sdelay $0x4  }
0xa9: {  	[tilespmem:s25+$0x9C10] =	vst v1  }
0xaa: {  	v1 =	vld [tilespmem:s24+$0x800];
	_ =	sdelay $0x4  }
0xab: {  	[tilespmem:s25+$0x9C20] =	vst v1  }
0xac: {  	v1 =	vld [tilespmem:s24+$0xC00];
	_ =	sdelay $0x4  }
0xad: {  	[tilespmem:s25+$0x9C30] =	vst v1  }
0xae: {  	v1 =	vld [tilespmem:s24+$0x1000];
	_ =	sdelay $0x4  }
0xaf: {  	[tilespmem:s25+$0x9C40] =	vst v1  }
0xb0: {  	v1 =	vld [tilespmem:s24+$0x1400];
	_ =	sdelay $0x4  }
0xb1: {  	[tilespmem:s25+$0x9C50] =	vst v1  }
0xb2: {  	v1 =	vld [tilespmem:s24+$0x1800];
	_ =	sdelay $0x4  }
0xb3: {  	[tilespmem:s25+$0x9C60] =	vst v1  }
0xb4: {  	v1 =	vld [tilespmem:s24+$0x1C00];
	_ =	sdelay $0x4  }
0xb5: {  	[tilespmem:s25+$0x9C70] =	vst v1  }
0xb6: {  	v1 =	vld [tilespmem:s24+$0x2000];
	_ =	sdelay $0x4  }
0xb7: {  	[tilespmem:s25+$0xBC00] =	vst v1  }
0xb8: {  	v1 =	vld [tilespmem:s24+$0x2400];
	_ =	sdelay $0x4  }
0xb9: {  	[tilespmem:s25+$0xBC10] =	vst v1  }
0xba: {  	v1 =	vld [tilespmem:s24+$0x2800];
	_ =	sdelay $0x4  }
0xbb: {  	[tilespmem:s25+$0xBC20] =	vst v1  }
0xbc: {  	v1 =	vld [tilespmem:s24+$0x2C00];
	_ =	sdelay $0x4  }
0xbd: {  	[tilespmem:s25+$0xBC30] =	vst v1  }
0xbe: {  	v1 =	vld [tilespmem:s24+$0x3000];
	_ =	sdelay $0x4  }
0xbf: {  	[tilespmem:s25+$0xBC40] =	vst v1  }
0xc0: {  	v1 =	vld [tilespmem:s24+$0x3400];
	_ =	sdelay $0x4  }
0xc1: {  	[tilespmem:s25+$0xBC50] =	vst v1  }
0xc2: {  	v1 =	vld [tilespmem:s24+$0x3800];
	_ =	sdelay $0x4  }
0xc3: {  	[tilespmem:s25+$0xBC60] =	vst v1  }
0xc4: {  	v1 =	vld [tilespmem:s24+$0x3C00];
	_ =	sdelay $0x4  }
0xc5: {  	[tilespmem:s25+$0xBC70] =	vst v1  }
0xc6: {  	v1 =	vld [tilespmem:s24+$0x4000];
	_ =	sdelay $0x4  }
0xc7: {  	[tilespmem:s25+$0xDC00] =	vst v1  }
0xc8: {  	v1 =	vld [tilespmem:s24+$0x4400];
	_ =	sdelay $0x4  }
0xc9: {  	[tilespmem:s25+$0xDC10] =	vst v1  }
0xca: {  	v1 =	vld [tilespmem:s24+$0x4800];
	_ =	sdelay $0x4  }
0xcb: {  	[tilespmem:s25+$0xDC20] =	vst v1  }
0xcc: {  	v1 =	vld [tilespmem:s24+$0x4C00];
	_ =	sdelay $0x4  }
0xcd: {  	[tilespmem:s25+$0xDC30] =	vst v1  }
0xce: {  	v1 =	vld [tilespmem:s24+$0x5000];
	_ =	sdelay $0x4  }
0xcf: {  	[tilespmem:s25+$0xDC40] =	vst v1  }
0xd0: {  	v1 =	vld [tilespmem:s24+$0x5400];
	_ =	sdelay $0x4  }
0xd1: {  	[tilespmem:s25+$0xDC50] =	vst v1  }
0xd2: {  	v1 =	vld [tilespmem:s24+$0x5800];
	_ =	sdelay $0x4  }
0xd3: {  	[tilespmem:s25+$0xDC60] =	vst v1  }
0xd4: {  	v1 =	vld [tilespmem:s24+$0x5C00];
	_ =	sdelay $0x4  }
0xd5: {  	[tilespmem:s25+$0xDC70] =	vst v1  }
0xd6: {  	v1 =	vld [tilespmem:s24+$0x6000];
	_ =	sdelay $0x4  }
0xd7: {  	[tilespmem:s25+$0xFC00] =	vst v1  }
0xd8: {  	v1 =	vld [tilespmem:s24+$0x6400];
	[tilespmem:s25+$0xFC20] =	vst v0  }
0xd9: {  	[tilespmem:s25+$0xFC30] =	vst v0  }
0xda: {  	[tilespmem:s25+$0xFC40] =	vst v0  }
0xdb: {  	[tilespmem:s25+$0xFC50] =	vst v0  }
0xdc: {  	s23 =	sor.u32 s4, s23;
	[tilespmem:s25+$0xFC60] =	vst v0  }
0xdd: {  	s23 =	sshll.u32 s23, $0x4;
	[tilespmem:s25+$0xFC70] =	vst v0  }
0xde: {  	s29 =	sadd.s32 s5, s23;
	[tilespmem:s25+$0xFC10] =	vst v1  }
0xdf: {  	[hbm4b:s29+s2] =	stream.linear.scatter [tilespmem:s16], [sflag:$0x2], $0x2000, $0x38;
	[tilespmem:$0x11C00] =	vst v63  }
0xe0: {  	_ =	swait.ge [sflag:s13], $0x2000  }
0xe1: {  	[sflag:s13] =	ssyncset.done $0x0  }
0xe2: {  	s30 =	sadd.s32 s23, s7;
	[sflag:s13] =	ssyncadd.s32 $0xFFFFE000  }
0xe3: {  	[hbm4b:s30+s2] =	stream.linear.scatter [tilespmem:s17], [sflag:$0x2], $0x2000, $0x38;
	[tilespmem:$0x11C00] =	vst v63  }
0xe4: {  	_ =	swait.ge [sflag:s13], $0x2000  }
0xe5: {  	[sflag:s13] =	ssyncset.done $0x0  }
0xe6: {  	s31 =	sadd.s32 s23, s8;
	[sflag:s13] =	ssyncadd.s32 $0xFFFFE000  }
0xe7: {  	[hbm4b:s31+s2] =	stream.linear.scatter [tilespmem:s18], [sflag:$0x2], $0x2000, $0x38;
	[tilespmem:$0x11C00] =	vst v63  }
0xe8: {  	s22 =	sadd.s32 $0x1, s22;
	_ =	swait.ge [sflag:s13], $0x2000  }
0xe9: {  	p0 =	sne.s32 s22, $0x8;
	[sflag:s13] =	ssyncset.done $0x0  }
.Ltmp2:
0xea: {  	s23 =	sadd.s32 s23, s9;
	[sflag:s13] =	ssyncadd.s32 $0xFFFFE000;
	(pc) =	sbr.rel @p0 .LBB2_2-.Ltmp2, $4  }
0xeb: {  	[hbm4b:s23+s2] =	stream.linear.scatter [tilespmem:s19], [sflag:$0x2], $0x2000, $0x38;
	[tilespmem:$0x11C00] =	vst v63  }
0xec: {  	_ =	swait.ge [sflag:s13], $0x2000  }
0xed: {  	[sflag:s13] =	ssyncset.done $0x0  }
0xee: {  	s21 =	sadd.s32 $0x40, s21;
	[sflag:s13] =	ssyncadd.s32 $0xFFFFE000  }
0xef: {  	s20 =	sadd.s32 $0x1, s20  }
0xf0: {  	p0 =	sne.s32 s20, s10  }
.Ltmp3:
0xf1: {  	_ = 	snop;
	(pc) =	sbr.rel @p0 .LBB2_1-.Ltmp3, $1  }
0xf2: {  	_ =	sdelay $0x3  }
0xf3: {  	_ =	sfence.sel $0x180000  }
0xf4: {  	[bflag:$0x0] =	sbarrier.arrive $0xFFFF  }
0xf5: {  	p0 =	sne.s32 s1, $0x0;
	_ =	strace $0x90000047  }
0xf6: {  	s0 =	sadd.s32 @!p0 $0x100000, s0;
	[bflag:$0x2] =	sbarrier.arrive $0xFFFF  }
0xf7: {  	[sflag:s0] =	ssyncadd.tile.s32 @!p0 $0x1;
	_ =	shalt  }
.Lfunc_end2:
_tile_overlayer_lowered:
.L_overlay_start_2:
0xf8: {  	(tag) =	ssettag $0x2  }
0xf9: {  	s0 =	rddreg [dreg:$0x0];
	s2 =	stileid.u32  }
0xfa: {  	s1 =	rddreg [dreg:$0x1];
	p0 =	sne.s32 s2, $0x0  }
0xfb: {  	s3 =	rddreg [dreg:$0x2];
	[bflag:$0x3] =	sbarrier.arrive $0xFFFF;
	s2 =	simm.s32 @!p0 $0x1C02  }
0xfc: {  	[timem:s3], [sflag:s2] =	dma.local @!p0 [hbm:s0], s1  }
0xfd: {  	s0 =	simm.s32 @!p0 $0x2  }
0xfe: {  	_ =	swait.ge @!p0 [sflag:s0], s1  }
0xff: {  	s1 =	ssub.s32 @!p0 $0x0, s1;
	[sflag:s0] =	ssyncset.done @!p0 $0x0  }
0x100: {  	[sflag:s0] =	ssyncadd.s32 @!p0 s1  }
0x101: {  	[bflag:$0x3] =	sbarrier.arrive $0xFFFF  }
0x102: {  	_ =	shalt  }

</sc_bundles>
